<compile_context>
chip_gen: v7x
topology: tpu7x:2x2x1
jax: 0.10.2.dev20260603
libtpu: 0.0.44.dev20260713+nightly
codegen_flags: <defaults>
</compile_context>

<pallas_src>
import functools

import jax
import jax.numpy as jnp
from jax import lax
from jax.experimental import pallas as pl
from jax.experimental.pallas import tpu as pltpu
from jax.experimental.pallas import tpu_sc as plsc

N_NODES = 10000
N_EDGES = 320000
D = 128
H = D // 2
NC = 2
NT = 16
CHUNK = 128
CPT = 158
E_SC = NT * CPT * CHUNK
DUMP_ROW = N_NODES
ACC_ROWS = 10240
ZCHUNKS = ACC_ROWS // NT // CHUNK


def _sc_aggregate(feat_cat, srcs, dsts):
    mesh = plsc.VectorSubcoreMesh(core_axis_name="c", subcore_axis_name="s")

    @functools.partial(
        pl.kernel,
        mesh=mesh,
        out_type=jax.ShapeDtypeStruct((NC, ACC_ROWS, H), jnp.float32),
        compiler_params=pltpu.CompilerParams(use_tc_tiling_on_sc=False),
        scratch_types=[
            pltpu.VMEM((CPT, CHUNK), jnp.int32),
            pltpu.VMEM((CPT, CHUNK), jnp.int32),
            pltpu.VMEM((CHUNK, H), jnp.float32),
            pltpu.VMEM((CHUNK, H), jnp.float32),
            pltpu.VMEM_SHARED((ACC_ROWS, H), jnp.float32),
            pltpu.SemaphoreType.DMA,
            pltpu.SemaphoreType.DMA,
        ],
    )
    def body(feat_hbm, src_hbm, dst_hbm, out_hbm,
             src_v, dst_v, buf0_v, buf1_v, acc_sp, sem0, sem1):
        buf_v = buf0_v
        c = lax.axis_index("c")
        s = lax.axis_index("s")

        pltpu.sync_copy(src_hbm.at[c, s], src_v)
        pltpu.sync_copy(dst_hbm.at[s], dst_v)

        zeros = jnp.zeros((16,), jnp.float32)

        def zero_row(i, carry):
            for j in range(H // 16):
                buf_v[i, pl.ds(j * 16, 16)] = zeros
            return carry

        lax.fori_loop(0, CHUNK, zero_row, 0)
        for k in range(ZCHUNKS):
            pltpu.sync_copy(
                buf_v,
                acc_sp.at[pl.ds(s * (ACC_ROWS // NT) + k * CHUNK, CHUNK)],
            )
        plsc.subcore_barrier()

        def start_gather(j, buf, sem):
            return pltpu.async_copy(feat_hbm.at[src_v.at[j]], buf, sem)

        def wait_gather(j, buf, sem):
            pltpu.make_async_copy(feat_hbm.at[src_v.at[j]], buf, sem).wait()

        def scatter_add(j, buf):
            pltpu.sync_copy(buf, acc_sp.at[dst_v.at[j]], add=True)

        start_gather(0, buf0_v, sem0)

        def chunk_body(j2, carry):
            j = j2 * 2
            start_gather(j + 1, buf1_v, sem1)
            wait_gather(j, buf0_v, sem0)
            scatter_add(j, buf0_v)
            start_gather(j + 2, buf0_v, sem0)
            wait_gather(j + 1, buf1_v, sem1)
            scatter_add(j + 1, buf1_v)
            return carry

        lax.fori_loop(0, CPT // 2 - 1, chunk_body, 0)
        start_gather(CPT - 1, buf1_v, sem1)
        wait_gather(CPT - 2, buf0_v, sem0)
        scatter_add(CPT - 2, buf0_v)
        wait_gather(CPT - 1, buf1_v, sem1)
        scatter_add(CPT - 1, buf1_v)
        plsc.subcore_barrier()

        for k in range(ZCHUNKS):
            r0 = s * (ACC_ROWS // NT) + k * CHUNK
            pltpu.sync_copy(acc_sp.at[pl.ds(r0, CHUNK)], buf_v)
            pltpu.sync_copy(buf_v, out_hbm.at[c, pl.ds(r0, CHUNK)])

    return body(feat_cat, srcs, dsts)


def kernel(feat, edge_index):
    feat = feat.astype(jnp.float32)
    ei = edge_index.astype(jnp.int32)
    src, dst = ei[0], ei[1]

    pad = E_SC - N_EDGES
    pad_src = lax.iota(jnp.int32, pad) % N_NODES
    src_p = jnp.concatenate([src, pad_src])
    dst_p = jnp.concatenate([dst, jnp.full((pad,), DUMP_ROW, jnp.int32)])

    srcs = jnp.stack([src_p, src_p + N_NODES]).reshape(NC, NT, CPT, CHUNK)
    dsts = dst_p.reshape(NT, CPT, CHUNK)
    feat_cat = jnp.concatenate([feat[:, :H], feat[:, H:]], axis=0)

    out2 = _sc_aggregate(feat_cat, srcs, dsts)
    return out2[:, :N_NODES].transpose(1, 0, 2).reshape(N_NODES, D)

# --- scband reference (transcript-rebuilt; emitter-appended) ---
"""Pipeline reference for scband-gcn-dgl-12661563589060 (READ-ONLY COPY).

The authoritative reference and input builder live on the scoring server;
editing this copy changes nothing except your own understanding.
"""

import jax, jax.numpy as jnp
import numpy as np

N_NODES = 10000
N_EDGES = 320000
D_FEAT = 128

def setup_inputs(seed: int = 0) -> dict:
    key = jax.random.key(seed)
    k1, k2 = jax.random.split(key)
    feat = jax.random.normal(k1, (N_NODES, D_FEAT), dtype=jnp.float32)
    edge_index = jax.random.randint(k2, (2, N_EDGES), 0, N_NODES, dtype=jnp.int64)
    return {"feat": feat, "edge_index": edge_index}

def reference(feat, edge_index):
    # DGL GCN aggregation: message = copy_u (source feature), reduce = sum over incoming edges.
    # Note: in the original module, self.weights / self.bias are defined in __init__ but are
    # NOT used in forward; forward only performs the copy_u + sum aggregation.
    src = edge_index[0]
    dst = edge_index[1]
    msg = jnp.take(feat, src, axis=0)          # gather source features per edge [E, d]
    rst = jax.ops.segment_sum(msg, dst, num_segments=N_NODES)  # scatter-add to dst nodes [N, d]
    return rst

if __name__ == "__main__":
    import jax
    _d = setup_inputs()
    print(jax.jit(kernel)(*tuple(_d.values())))

</pallas_src>

<mosaic_0001>
#map = affine_map<(d0, d1) -> (0, 0)>
#map1 = affine_map<(d0, d1) -> (0, 0, 0, 0)>
#map2 = affine_map<(d0, d1) -> (0, 0, 0)>
module attributes {stable_mosaic.version = 14 : i64} {
  func.func @body(%arg0: i32, %arg1: i32, %arg2: memref<20000x64xf32, #tpu.memory_space<hbm>>, %arg3: memref<2x16x158x128xi32, #tpu.memory_space<hbm>>, %arg4: memref<16x158x128xi32, #tpu.memory_space<hbm>>, %arg5: memref<2x10240x64xf32, #tpu.memory_space<hbm>>, %arg6: memref<158x128xi32, #tpu.memory_space<vmem>>, %arg7: memref<158x128xi32, #tpu.memory_space<vmem>>, %arg8: memref<128x64xf32, #tpu.memory_space<vmem>>, %arg9: memref<128x64xf32, #tpu.memory_space<vmem>>, %arg10: memref<10240x64xf32, #tpu.memory_space<vmem_shared>>, %arg11: memref<!tpu.dma_semaphore, #tpu.memory_space<semaphore_mem>>, %arg12: memref<!tpu.dma_semaphore, #tpu.memory_space<semaphore_mem>>) attributes {dimension_semantics = [#tpu.dimension_semantics<core_parallel>, #tpu.dimension_semantics<subcore_parallel>], iteration_bounds = array<i64: 2, 16>, scalar_prefetch = 0 : i64, scratch_operands = 7 : i64, tpu.core_type = #tpu.core_type<sc_vector_subcore>, window_params = [{transform_indices = #map}, {transform_indices = #map1}, {transform_indices = #map2}, {transform_indices = #map2}]} {
    "tpu.region"() ({
      %run_scoped3A_78 = tpu.sem_alloc : memref<!tpu.dma_semaphore, #tpu.memory_space<semaphore_mem>>
      %dma_start3A_79 = arith.constant 0 : i32
      %dma_start3A_80 = arith.constant 0 : i32
      %dma_start3A_81 = tpu.memref_slice %arg3[%arg0, %arg1, %dma_start3A_79, %dma_start3A_80] : memref<2x16x158x128xi32, #tpu.memory_space<hbm>> -> memref<1x1x158x128xi32, #tpu.memory_space<hbm>>
      %dma_start3A_82 = tpu.memref_squeeze %dma_start3A_81 : memref<1x1x158x128xi32, #tpu.memory_space<hbm>> -> memref<158x128xi32, #tpu.memory_space<hbm>>
      %dma_start3A_83 = arith.constant 0 : i32
      %dma_start3A_84 = arith.constant 0 : i32
      %dma_start3A_85 = tpu.memref_slice %arg3[%arg0, %arg1, %dma_start3A_83, %dma_start3A_84] : memref<2x16x158x128xi32, #tpu.memory_space<hbm>> -> memref<1x1x158x128xi32, #tpu.memory_space<hbm>>
      %dma_start3A_86 = tpu.memref_squeeze %dma_start3A_85 : memref<1x1x158x128xi32, #tpu.memory_space<hbm>> -> memref<158x128xi32, #tpu.memory_space<hbm>>
      tpu.enqueue_dma source(%dma_start3A_86 : memref<158x128xi32, #tpu.memory_space<hbm>>) target(%arg6 : memref<158x128xi32, #tpu.memory_space<vmem>>) target_semaphore(%run_scoped3A_78 : memref<!tpu.dma_semaphore, #tpu.memory_space<semaphore_mem>>)
      %dma_wait3A_87 = arith.constant 0 : i32
      %dma_wait3A_88 = arith.constant 0 : i32
      %dma_wait3A_89 = tpu.memref_slice %arg3[%arg0, %arg1, %dma_wait3A_87, %dma_wait3A_88] : memref<2x16x158x128xi32, #tpu.memory_space<hbm>> -> memref<1x1x158x128xi32, #tpu.memory_space<hbm>>
      %dma_wait3A_90 = tpu.memref_squeeze %dma_wait3A_89 : memref<1x1x158x128xi32, #tpu.memory_space<hbm>> -> memref<158x128xi32, #tpu.memory_space<hbm>>
      %dma_wait3A_91 = arith.constant 0 : i32
      %dma_wait3A_92 = arith.constant 0 : i32
      %dma_wait3A_93 = tpu.memref_slice %arg3[%arg0, %arg1, %dma_wait3A_91, %dma_wait3A_92] : memref<2x16x158x128xi32, #tpu.memory_space<hbm>> -> memref<1x1x158x128xi32, #tpu.memory_space<hbm>>
      %dma_wait3A_94 = tpu.memref_squeeze %dma_wait3A_93 : memref<1x1x158x128xi32, #tpu.memory_space<hbm>> -> memref<158x128xi32, #tpu.memory_space<hbm>>
      tpu.wait_dma2 semaphore(%run_scoped3A_78 : memref<!tpu.dma_semaphore, #tpu.memory_space<semaphore_mem>>) src(%dma_wait3A_94 : memref<158x128xi32, #tpu.memory_space<hbm>>) dst(%arg6 : memref<158x128xi32, #tpu.memory_space<vmem>>)
      tpu.yield
    }) : () -> ()
    "tpu.region"() ({
      %run_scoped3A_78 = tpu.sem_alloc : memref<!tpu.dma_semaphore, #tpu.memory_space<semaphore_mem>>
      %dma_start3A_79 = arith.constant 0 : i32
      %dma_start3A_80 = arith.constant 0 : i32
      %dma_start3A_81 = tpu.memref_slice %arg4[%arg1, %dma_start3A_79, %dma_start3A_80] : memref<16x158x128xi32, #tpu.memory_space<hbm>> -> memref<1x158x128xi32, #tpu.memory_space<hbm>>
      %dma_start3A_82 = tpu.memref_squeeze %dma_start3A_81 : memref<1x158x128xi32, #tpu.memory_space<hbm>> -> memref<158x128xi32, #tpu.memory_space<hbm>>
      %dma_start3A_83 = arith.constant 0 : i32
      %dma_start3A_84 = arith.constant 0 : i32
      %dma_start3A_85 = tpu.memref_slice %arg4[%arg1, %dma_start3A_83, %dma_start3A_84] : memref<16x158x128xi32, #tpu.memory_space<hbm>> -> memref<1x158x128xi32, #tpu.memory_space<hbm>>
      %dma_start3A_86 = tpu.memref_squeeze %dma_start3A_85 : memref<1x158x128xi32, #tpu.memory_space<hbm>> -> memref<158x128xi32, #tpu.memory_space<hbm>>
      tpu.enqueue_dma source(%dma_start3A_86 : memref<158x128xi32, #tpu.memory_space<hbm>>) target(%arg7 : memref<158x128xi32, #tpu.memory_space<vmem>>) target_semaphore(%run_scoped3A_78 : memref<!tpu.dma_semaphore, #tpu.memory_space<semaphore_mem>>)
      %dma_wait3A_87 = arith.constant 0 : i32
      %dma_wait3A_88 = arith.constant 0 : i32
      %dma_wait3A_89 = tpu.memref_slice %arg4[%arg1, %dma_wait3A_87, %dma_wait3A_88] : memref<16x158x128xi32, #tpu.memory_space<hbm>> -> memref<1x158x128xi32, #tpu.memory_space<hbm>>
      %dma_wait3A_90 = tpu.memref_squeeze %dma_wait3A_89 : memref<1x158x128xi32, #tpu.memory_space<hbm>> -> memref<158x128xi32, #tpu.memory_space<hbm>>
      %dma_wait3A_91 = arith.constant 0 : i32
      %dma_wait3A_92 = arith.constant 0 : i32
      %dma_wait3A_93 = tpu.memref_slice %arg4[%arg1, %dma_wait3A_91, %dma_wait3A_92] : memref<16x158x128xi32, #tpu.memory_space<hbm>> -> memref<1x158x128xi32, #tpu.memory_space<hbm>>
      %dma_wait3A_94 = tpu.memref_squeeze %dma_wait3A_93 : memref<1x158x128xi32, #tpu.memory_space<hbm>> -> memref<158x128xi32, #tpu.memory_space<hbm>>
      tpu.wait_dma2 semaphore(%run_scoped3A_78 : memref<!tpu.dma_semaphore, #tpu.memory_space<semaphore_mem>>) src(%dma_wait3A_94 : memref<158x128xi32, #tpu.memory_space<hbm>>) dst(%arg7 : memref<158x128xi32, #tpu.memory_space<vmem>>)
      tpu.yield
    }) : () -> ()
    %broadcast_in_dim3A = arith.constant 0.000000e+00 : f32
    %broadcast_in_dim3A_0 = vector.broadcast %broadcast_in_dim3A : f32 to vector<16xf32>
    %scan3A = arith.constant 0 : i32
    %scan3A_1 = arith.constant 0 : i32
    %scan3A_2 = arith.constant 128 : i32
    %scan3A_3 = arith.addi %scan3A_1, %scan3A_2 : i32
    %scan3A_4 = arith.constant 1 : i32
    scf.for %scan3A_78 = %scan3A_1 to %scan3A_3 step %scan3A_4  : i32 {
      %swap3A = arith.index_cast %scan3A_78 : i32 to index
      %swap3A_79 = arith.constant 0 : index
      %swap3A_80 = tpu.vector_load %arg8[%swap3A, %swap3A_79] {strides = array<i32>} : memref<128x64xf32, #tpu.memory_space<vmem>>, vector<1x16xf32>,
      %swap3A_81 = vector.shape_cast %swap3A_80 : vector<1x16xf32> to vector<16xf32>
      %swap3A_82 = vector.shape_cast %broadcast_in_dim3A_0 : vector<16xf32> to vector<1x16xf32>
      tpu.vector_store %arg8[%swap3A, %swap3A_79], %swap3A_82 {strides = array<i32>} : memref<128x64xf32, #tpu.memory_space<vmem>>, vector<1x16xf32>,
      %swap3A_83 = arith.index_cast %scan3A_78 : i32 to index
      %swap3A_84 = arith.constant 16 : index
      %swap3A_85 = tpu.vector_load %arg8[%swap3A_83, %swap3A_84] {strides = array<i32>} : memref<128x64xf32, #tpu.memory_space<vmem>>, vector<1x16xf32>,
      %swap3A_86 = vector.shape_cast %swap3A_85 : vector<1x16xf32> to vector<16xf32>
      %swap3A_87 = vector.shape_cast %broadcast_in_dim3A_0 : vector<16xf32> to vector<1x16xf32>
      tpu.vector_store %arg8[%swap3A_83, %swap3A_84], %swap3A_87 {strides = array<i32>} : memref<128x64xf32, #tpu.memory_space<vmem>>, vector<1x16xf32>,
      %swap3A_88 = arith.index_cast %scan3A_78 : i32 to index
      %swap3A_89 = arith.constant 32 : index
      %swap3A_90 = tpu.vector_load %arg8[%swap3A_88, %swap3A_89] {strides = array<i32>} : memref<128x64xf32, #tpu.memory_space<vmem>>, vector<1x16xf32>,
      %swap3A_91 = vector.shape_cast %swap3A_90 : vector<1x16xf32> to vector<16xf32>
      %swap3A_92 = vector.shape_cast %broadcast_in_dim3A_0 : vector<16xf32> to vector<1x16xf32>
      tpu.vector_store %arg8[%swap3A_88, %swap3A_89], %swap3A_92 {strides = array<i32>} : memref<128x64xf32, #tpu.memory_space<vmem>>, vector<1x16xf32>,
      %swap3A_93 = arith.index_cast %scan3A_78 : i32 to index
      %swap3A_94 = arith.constant 48 : index
      %swap3A_95 = tpu.vector_load %arg8[%swap3A_93, %swap3A_94] {strides = array<i32>} : memref<128x64xf32, #tpu.memory_space<vmem>>, vector<1x16xf32>,
      %swap3A_96 = vector.shape_cast %swap3A_95 : vector<1x16xf32> to vector<16xf32>
      %swap3A_97 = vector.shape_cast %broadcast_in_dim3A_0 : vector<16xf32> to vector<1x16xf32>
      tpu.vector_store %arg8[%swap3A_93, %swap3A_94], %swap3A_97 {strides = array<i32>} : memref<128x64xf32, #tpu.memory_space<vmem>>, vector<1x16xf32>,
    }
    %scan3A_5 = arith.constant 128 : i32
    %mul3A = arith.constant 640 : i32
    %mul3A_6 = arith.muli %arg1, %mul3A : i32
    %add3A = arith.constant 0 : i32
    %add3A_7 = arith.addi %mul3A_6, %add3A : i32
    "tpu.region"() ({
      %run_scoped3A_78 = tpu.sem_alloc : memref<!tpu.dma_semaphore, #tpu.memory_space<semaphore_mem>>
      %dma_start3A_79 = arith.constant 0 : i32
      %dma_start3A_80 = tpu.memref_slice %arg10[%add3A_7, %dma_start3A_79] : memref<10240x64xf32, #tpu.memory_space<vmem_shared>> -> memref<128x64xf32, #tpu.memory_space<vmem_shared>>
      %dma_start3A_81 = arith.constant 0 : i32
      %dma_start3A_82 = tpu.memref_slice %arg10[%add3A_7, %dma_start3A_81] : memref<10240x64xf32, #tpu.memory_space<vmem_shared>> -> memref<128x64xf32, #tpu.memory_space<vmem_shared>>
      tpu.enqueue_dma source(%arg8 : memref<128x64xf32, #tpu.memory_space<vmem>>) target(%dma_start3A_82 : memref<128x64xf32, #tpu.memory_space<vmem_shared>>) target_semaphore(%run_scoped3A_78 : memref<!tpu.dma_semaphore, #tpu.memory_space<semaphore_mem>>)
      %dma_wait3A_83 = arith.constant 0 : i32
      %dma_wait3A_84 = tpu.memref_slice %arg10[%add3A_7, %dma_wait3A_83] : memref<10240x64xf32, #tpu.memory_space<vmem_shared>> -> memref<128x64xf32, #tpu.memory_space<vmem_shared>>
      %dma_wait3A_85 = arith.constant 0 : i32
      %dma_wait3A_86 = tpu.memref_slice %arg10[%add3A_7, %dma_wait3A_85] : memref<10240x64xf32, #tpu.memory_space<vmem_shared>> -> memref<128x64xf32, #tpu.memory_space<vmem_shared>>
      tpu.wait_dma2 semaphore(%run_scoped3A_78 : memref<!tpu.dma_semaphore, #tpu.memory_space<semaphore_mem>>) src(%arg8 : memref<128x64xf32, #tpu.memory_space<vmem>>) dst(%dma_wait3A_86 : memref<128x64xf32, #tpu.memory_space<vmem_shared>>)
      tpu.yield
    }) : () -> ()
    %mul3A_8 = arith.constant 640 : i32
    %mul3A_9 = arith.muli %arg1, %mul3A_8 : i32
    %add3A_10 = arith.constant 128 : i32
    %add3A_11 = arith.addi %mul3A_9, %add3A_10 : i32
    "tpu.region"() ({
      %run_scoped3A_78 = tpu.sem_alloc : memref<!tpu.dma_semaphore, #tpu.memory_space<semaphore_mem>>
      %dma_start3A_79 = arith.constant 0 : i32
      %dma_start3A_80 = tpu.memref_slice %arg10[%add3A_11, %dma_start3A_79] : memref<10240x64xf32, #tpu.memory_space<vmem_shared>> -> memref<128x64xf32, #tpu.memory_space<vmem_shared>>
      %dma_start3A_81 = arith.constant 0 : i32
      %dma_start3A_82 = tpu.memref_slice %arg10[%add3A_11, %dma_start3A_81] : memref<10240x64xf32, #tpu.memory_space<vmem_shared>> -> memref<128x64xf32, #tpu.memory_space<vmem_shared>>
      tpu.enqueue_dma source(%arg8 : memref<128x64xf32, #tpu.memory_space<vmem>>) target(%dma_start3A_82 : memref<128x64xf32, #tpu.memory_space<vmem_shared>>) target_semaphore(%run_scoped3A_78 : memref<!tpu.dma_semaphore, #tpu.memory_space<semaphore_mem>>)
      %dma_wait3A_83 = arith.constant 0 : i32
      %dma_wait3A_84 = tpu.memref_slice %arg10[%add3A_11, %dma_wait3A_83] : memref<10240x64xf32, #tpu.memory_space<vmem_shared>> -> memref<128x64xf32, #tpu.memory_space<vmem_shared>>
      %dma_wait3A_85 = arith.constant 0 : i32
      %dma_wait3A_86 = tpu.memref_slice %arg10[%add3A_11, %dma_wait3A_85] : memref<10240x64xf32, #tpu.memory_space<vmem_shared>> -> memref<128x64xf32, #tpu.memory_space<vmem_shared>>
      tpu.wait_dma2 semaphore(%run_scoped3A_78 : memref<!tpu.dma_semaphore, #tpu.memory_space<semaphore_mem>>) src(%arg8 : memref<128x64xf32, #tpu.memory_space<vmem>>) dst(%dma_wait3A_86 : memref<128x64xf32, #tpu.memory_space<vmem_shared>>)
      tpu.yield
    }) : () -> ()
    %mul3A_12 = arith.constant 640 : i32
    %mul3A_13 = arith.muli %arg1, %mul3A_12 : i32
    %add3A_14 = arith.constant 256 : i32
    %add3A_15 = arith.addi %mul3A_13, %add3A_14 : i32
    "tpu.region"() ({
      %run_scoped3A_78 = tpu.sem_alloc : memref<!tpu.dma_semaphore, #tpu.memory_space<semaphore_mem>>
      %dma_start3A_79 = arith.constant 0 : i32
      %dma_start3A_80 = tpu.memref_slice %arg10[%add3A_15, %dma_start3A_79] : memref<10240x64xf32, #tpu.memory_space<vmem_shared>> -> memref<128x64xf32, #tpu.memory_space<vmem_shared>>
      %dma_start3A_81 = arith.constant 0 : i32
      %dma_start3A_82 = tpu.memref_slice %arg10[%add3A_15, %dma_start3A_81] : memref<10240x64xf32, #tpu.memory_space<vmem_shared>> -> memref<128x64xf32, #tpu.memory_space<vmem_shared>>
      tpu.enqueue_dma source(%arg8 : memref<128x64xf32, #tpu.memory_space<vmem>>) target(%dma_start3A_82 : memref<128x64xf32, #tpu.memory_space<vmem_shared>>) target_semaphore(%run_scoped3A_78 : memref<!tpu.dma_semaphore, #tpu.memory_space<semaphore_mem>>)
      %dma_wait3A_83 = arith.constant 0 : i32
      %dma_wait3A_84 = tpu.memref_slice %arg10[%add3A_15, %dma_wait3A_83] : memref<10240x64xf32, #tpu.memory_space<vmem_shared>> -> memref<128x64xf32, #tpu.memory_space<vmem_shared>>
      %dma_wait3A_85 = arith.constant 0 : i32
      %dma_wait3A_86 = tpu.memref_slice %arg10[%add3A_15, %dma_wait3A_85] : memref<10240x64xf32, #tpu.memory_space<vmem_shared>> -> memref<128x64xf32, #tpu.memory_space<vmem_shared>>
      tpu.wait_dma2 semaphore(%run_scoped3A_78 : memref<!tpu.dma_semaphore, #tpu.memory_space<semaphore_mem>>) src(%arg8 : memref<128x64xf32, #tpu.memory_space<vmem>>) dst(%dma_wait3A_86 : memref<128x64xf32, #tpu.memory_space<vmem_shared>>)
      tpu.yield
    }) : () -> ()
    %mul3A_16 = arith.constant 640 : i32
    %mul3A_17 = arith.muli %arg1, %mul3A_16 : i32
    %add3A_18 = arith.constant 384 : i32
    %add3A_19 = arith.addi %mul3A_17, %add3A_18 : i32
    "tpu.region"() ({
      %run_scoped3A_78 = tpu.sem_alloc : memref<!tpu.dma_semaphore, #tpu.memory_space<semaphore_mem>>
      %dma_start3A_79 = arith.constant 0 : i32
      %dma_start3A_80 = tpu.memref_slice %arg10[%add3A_19, %dma_start3A_79] : memref<10240x64xf32, #tpu.memory_space<vmem_shared>> -> memref<128x64xf32, #tpu.memory_space<vmem_shared>>
      %dma_start3A_81 = arith.constant 0 : i32
      %dma_start3A_82 = tpu.memref_slice %arg10[%add3A_19, %dma_start3A_81] : memref<10240x64xf32, #tpu.memory_space<vmem_shared>> -> memref<128x64xf32, #tpu.memory_space<vmem_shared>>
      tpu.enqueue_dma source(%arg8 : memref<128x64xf32, #tpu.memory_space<vmem>>) target(%dma_start3A_82 : memref<128x64xf32, #tpu.memory_space<vmem_shared>>) target_semaphore(%run_scoped3A_78 : memref<!tpu.dma_semaphore, #tpu.memory_space<semaphore_mem>>)
      %dma_wait3A_83 = arith.constant 0 : i32
      %dma_wait3A_84 = tpu.memref_slice %arg10[%add3A_19, %dma_wait3A_83] : memref<10240x64xf32, #tpu.memory_space<vmem_shared>> -> memref<128x64xf32, #tpu.memory_space<vmem_shared>>
      %dma_wait3A_85 = arith.constant 0 : i32
      %dma_wait3A_86 = tpu.memref_slice %arg10[%add3A_19, %dma_wait3A_85] : memref<10240x64xf32, #tpu.memory_space<vmem_shared>> -> memref<128x64xf32, #tpu.memory_space<vmem_shared>>
      tpu.wait_dma2 semaphore(%run_scoped3A_78 : memref<!tpu.dma_semaphore, #tpu.memory_space<semaphore_mem>>) src(%arg8 : memref<128x64xf32, #tpu.memory_space<vmem>>) dst(%dma_wait3A_86 : memref<128x64xf32, #tpu.memory_space<vmem_shared>>)
      tpu.yield
    }) : () -> ()
    %mul3A_20 = arith.constant 640 : i32
    %mul3A_21 = arith.muli %arg1, %mul3A_20 : i32
    %add3A_22 = arith.constant 512 : i32
    %add3A_23 = arith.addi %mul3A_21, %add3A_22 : i32
    "tpu.region"() ({
      %run_scoped3A_78 = tpu.sem_alloc : memref<!tpu.dma_semaphore, #tpu.memory_space<semaphore_mem>>
      %dma_start3A_79 = arith.constant 0 : i32
      %dma_start3A_80 = tpu.memref_slice %arg10[%add3A_23, %dma_start3A_79] : memref<10240x64xf32, #tpu.memory_space<vmem_shared>> -> memref<128x64xf32, #tpu.memory_space<vmem_shared>>
      %dma_start3A_81 = arith.constant 0 : i32
      %dma_start3A_82 = tpu.memref_slice %arg10[%add3A_23, %dma_start3A_81] : memref<10240x64xf32, #tpu.memory_space<vmem_shared>> -> memref<128x64xf32, #tpu.memory_space<vmem_shared>>
      tpu.enqueue_dma source(%arg8 : memref<128x64xf32, #tpu.memory_space<vmem>>) target(%dma_start3A_82 : memref<128x64xf32, #tpu.memory_space<vmem_shared>>) target_semaphore(%run_scoped3A_78 : memref<!tpu.dma_semaphore, #tpu.memory_space<semaphore_mem>>)
      %dma_wait3A_83 = arith.constant 0 : i32
      %dma_wait3A_84 = tpu.memref_slice %arg10[%add3A_23, %dma_wait3A_83] : memref<10240x64xf32, #tpu.memory_space<vmem_shared>> -> memref<128x64xf32, #tpu.memory_space<vmem_shared>>
      %dma_wait3A_85 = arith.constant 0 : i32
      %dma_wait3A_86 = tpu.memref_slice %arg10[%add3A_23, %dma_wait3A_85] : memref<10240x64xf32, #tpu.memory_space<vmem_shared>> -> memref<128x64xf32, #tpu.memory_space<vmem_shared>>
      tpu.wait_dma2 semaphore(%run_scoped3A_78 : memref<!tpu.dma_semaphore, #tpu.memory_space<semaphore_mem>>) src(%arg8 : memref<128x64xf32, #tpu.memory_space<vmem>>) dst(%dma_wait3A_86 : memref<128x64xf32, #tpu.memory_space<vmem_shared>>)
      tpu.yield
    }) : () -> ()
    %barrier3A = arith.constant 0 : index
    tpu.barrier barrier_id(%barrier3A)
    %dma_start3A = arith.constant 0 : i32
    %dma_start3A_24 = arith.constant 0 : i32
    %dma_start3A_25 = tpu.memref_slice %arg6[%dma_start3A, %dma_start3A_24] : memref<158x128xi32, #tpu.memory_space<vmem>> -> memref<1x128xi32, #tpu.memory_space<vmem>>
    %dma_start3A_26 = tpu.memref_squeeze %dma_start3A_25 : memref<1x128xi32, #tpu.memory_space<vmem>> -> memref<128xi32, #tpu.memory_space<vmem>>
    %dma_start3A_27 = arith.constant 0 : i32
    %dma_start3A_28 = arith.constant 0 : i32
    %dma_start3A_29 = tpu.memref_slice %arg2[%dma_start3A_27, %dma_start3A_28] : memref<20000x64xf32, #tpu.memory_space<hbm>> -> memref<20000x64xf32, #tpu.memory_space<hbm>>
    tpu.enqueue_indirect_dma source(%dma_start3A_29 : memref<20000x64xf32, #tpu.memory_space<hbm>>) target(%arg8 : memref<128x64xf32, #tpu.memory_space<vmem>>) offsets(%dma_start3A_26 : memref<128xi32, #tpu.memory_space<vmem>>) semaphore(%arg11 : memref<!tpu.dma_semaphore, #tpu.memory_space<semaphore_mem>>)
    %scan3A_30 = arith.constant 0 : i32
    %scan3A_31 = arith.constant 0 : i32
    %scan3A_32 = arith.constant 78 : i32
    %scan3A_33 = arith.addi %scan3A_31, %scan3A_32 : i32
    %scan3A_34 = arith.constant 1 : i32
    scf.for %scan3A_78 = %scan3A_31 to %scan3A_33 step %scan3A_34  : i32 {
      %mul3A_79 = arith.constant 2 : i32
      %mul3A_80 = arith.muli %scan3A_78, %mul3A_79 : i32
      %add3A_81 = arith.constant 1 : i32
      %add3A_82 = arith.addi %mul3A_80, %add3A_81 : i32
      %dma_start3A_83 = arith.constant 0 : i32
      %dma_start3A_84 = tpu.memref_slice %arg6[%add3A_82, %dma_start3A_83] : memref<158x128xi32, #tpu.memory_space<vmem>> -> memref<1x128xi32, #tpu.memory_space<vmem>>
      %dma_start3A_85 = tpu.memref_squeeze %dma_start3A_84 : memref<1x128xi32, #tpu.memory_space<vmem>> -> memref<128xi32, #tpu.memory_space<vmem>>
      %dma_start3A_86 = arith.constant 0 : i32
      %dma_start3A_87 = arith.constant 0 : i32
      %dma_start3A_88 = tpu.memref_slice %arg2[%dma_start3A_86, %dma_start3A_87] : memref<20000x64xf32, #tpu.memory_space<hbm>> -> memref<20000x64xf32, #tpu.memory_space<hbm>>
      tpu.enqueue_indirect_dma source(%dma_start3A_88 : memref<20000x64xf32, #tpu.memory_space<hbm>>) target(%arg9 : memref<128x64xf32, #tpu.memory_space<vmem>>) offsets(%dma_start3A_85 : memref<128xi32, #tpu.memory_space<vmem>>) semaphore(%arg12 : memref<!tpu.dma_semaphore, #tpu.memory_space<semaphore_mem>>)
      %dma_wait3A_89 = arith.constant 0 : i32
      %dma_wait3A_90 = tpu.memref_slice %arg6[%mul3A_80, %dma_wait3A_89] : memref<158x128xi32, #tpu.memory_space<vmem>> -> memref<1x128xi32, #tpu.memory_space<vmem>>
      %dma_wait3A_91 = tpu.memref_squeeze %dma_wait3A_90 : memref<1x128xi32, #tpu.memory_space<vmem>> -> memref<128xi32, #tpu.memory_space<vmem>>
      %dma_wait3A_92 = arith.constant 0 : i32
      %dma_wait3A_93 = arith.constant 0 : i32
      %dma_wait3A_94 = tpu.memref_slice %arg2[%dma_wait3A_92, %dma_wait3A_93] : memref<20000x64xf32, #tpu.memory_space<hbm>> -> memref<20000x64xf32, #tpu.memory_space<hbm>>
      tpu.wait_indirect_dma semaphore(%arg11 : memref<!tpu.dma_semaphore, #tpu.memory_space<semaphore_mem>>) src(%dma_wait3A_94 : memref<20000x64xf32, #tpu.memory_space<hbm>>) dst(%arg8 : memref<128x64xf32, #tpu.memory_space<vmem>>)
      "tpu.region"() ({
        %run_scoped3A_113 = tpu.sem_alloc : memref<!tpu.dma_semaphore, #tpu.memory_space<semaphore_mem>>
        %dma_start3A_114 = arith.constant 0 : i32
        %dma_start3A_115 = tpu.memref_slice %arg7[%mul3A_80, %dma_start3A_114] : memref<158x128xi32, #tpu.memory_space<vmem>> -> memref<1x128xi32, #tpu.memory_space<vmem>>
        %dma_start3A_116 = tpu.memref_squeeze %dma_start3A_115 : memref<1x128xi32, #tpu.memory_space<vmem>> -> memref<128xi32, #tpu.memory_space<vmem>>
        %dma_start3A_117 = arith.constant 0 : i32
        %dma_start3A_118 = arith.constant 0 : i32
        %dma_start3A_119 = tpu.memref_slice %arg10[%dma_start3A_117, %dma_start3A_118] : memref<10240x64xf32, #tpu.memory_space<vmem_shared>> -> memref<10240x64xf32, #tpu.memory_space<vmem_shared>>
        tpu.enqueue_indirect_dma source(%arg8 : memref<128x64xf32, #tpu.memory_space<vmem>>) target(%dma_start3A_119 : memref<10240x64xf32, #tpu.memory_space<vmem_shared>>) offsets(%dma_start3A_116 : memref<128xi32, #tpu.memory_space<vmem>>) semaphore(%run_scoped3A_113 : memref<!tpu.dma_semaphore, #tpu.memory_space<semaphore_mem>>) {add = true}
        %dma_wait3A_120 = arith.constant 0 : i32
        %dma_wait3A_121 = tpu.memref_slice %arg7[%mul3A_80, %dma_wait3A_120] : memref<158x128xi32, #tpu.memory_space<vmem>> -> memref<1x128xi32, #tpu.memory_space<vmem>>
        %dma_wait3A_122 = tpu.memref_squeeze %dma_wait3A_121 : memref<1x128xi32, #tpu.memory_space<vmem>> -> memref<128xi32, #tpu.memory_space<vmem>>
        %dma_wait3A_123 = arith.constant 0 : i32
        %dma_wait3A_124 = arith.constant 0 : i32
        %dma_wait3A_125 = tpu.memref_slice %arg10[%dma_wait3A_123, %dma_wait3A_124] : memref<10240x64xf32, #tpu.memory_space<vmem_shared>> -> memref<10240x64xf32, #tpu.memory_space<vmem_shared>>
        tpu.wait_indirect_dma semaphore(%run_scoped3A_113 : memref<!tpu.dma_semaphore, #tpu.memory_space<semaphore_mem>>) src(%arg8 : memref<128x64xf32, #tpu.memory_space<vmem>>) dst(%dma_wait3A_125 : memref<10240x64xf32, #tpu.memory_space<vmem_shared>>)
        tpu.yield
      }) : () -> ()
      %add3A_95 = arith.constant 2 : i32
      %add3A_96 = arith.addi %mul3A_80, %add3A_95 : i32
      %dma_start3A_97 = arith.constant 0 : i32
      %dma_start3A_98 = tpu.memref_slice %arg6[%add3A_96, %dma_start3A_97] : memref<158x128xi32, #tpu.memory_space<vmem>> -> memref<1x128xi32, #tpu.memory_space<vmem>>
      %dma_start3A_99 = tpu.memref_squeeze %dma_start3A_98 : memref<1x128xi32, #tpu.memory_space<vmem>> -> memref<128xi32, #tpu.memory_space<vmem>>
      %dma_start3A_100 = arith.constant 0 : i32
      %dma_start3A_101 = arith.constant 0 : i32
      %dma_start3A_102 = tpu.memref_slice %arg2[%dma_start3A_100, %dma_start3A_101] : memref<20000x64xf32, #tpu.memory_space<hbm>> -> memref<20000x64xf32, #tpu.memory_space<hbm>>
      tpu.enqueue_indirect_dma source(%dma_start3A_102 : memref<20000x64xf32, #tpu.memory_space<hbm>>) target(%arg8 : memref<128x64xf32, #tpu.memory_space<vmem>>) offsets(%dma_start3A_99 : memref<128xi32, #tpu.memory_space<vmem>>) semaphore(%arg11 : memref<!tpu.dma_semaphore, #tpu.memory_space<semaphore_mem>>)
      %add3A_103 = arith.constant 1 : i32
      %add3A_104 = arith.addi %mul3A_80, %add3A_103 : i32
      %dma_wait3A_105 = arith.constant 0 : i32
      %dma_wait3A_106 = tpu.memref_slice %arg6[%add3A_104, %dma_wait3A_105] : memref<158x128xi32, #tpu.memory_space<vmem>> -> memref<1x128xi32, #tpu.memory_space<vmem>>
      %dma_wait3A_107 = tpu.memref_squeeze %dma_wait3A_106 : memref<1x128xi32, #tpu.memory_space<vmem>> -> memref<128xi32, #tpu.memory_space<vmem>>
      %dma_wait3A_108 = arith.constant 0 : i32
      %dma_wait3A_109 = arith.constant 0 : i32
      %dma_wait3A_110 = tpu.memref_slice %arg2[%dma_wait3A_108, %dma_wait3A_109] : memref<20000x64xf32, #tpu.memory_space<hbm>> -> memref<20000x64xf32, #tpu.memory_space<hbm>>
      tpu.wait_indirect_dma semaphore(%arg12 : memref<!tpu.dma_semaphore, #tpu.memory_space<semaphore_mem>>) src(%dma_wait3A_110 : memref<20000x64xf32, #tpu.memory_space<hbm>>) dst(%arg9 : memref<128x64xf32, #tpu.memory_space<vmem>>)
      %add3A_111 = arith.constant 1 : i32
      %add3A_112 = arith.addi %mul3A_80, %add3A_111 : i32
      "tpu.region"() ({
        %run_scoped3A_113 = tpu.sem_alloc : memref<!tpu.dma_semaphore, #tpu.memory_space<semaphore_mem>>
        %dma_start3A_114 = arith.constant 0 : i32
        %dma_start3A_115 = tpu.memref_slice %arg7[%add3A_112, %dma_start3A_114] : memref<158x128xi32, #tpu.memory_space<vmem>> -> memref<1x128xi32, #tpu.memory_space<vmem>>
        %dma_start3A_116 = tpu.memref_squeeze %dma_start3A_115 : memref<1x128xi32, #tpu.memory_space<vmem>> -> memref<128xi32, #tpu.memory_space<vmem>>
        %dma_start3A_117 = arith.constant 0 : i32
        %dma_start3A_118 = arith.constant 0 : i32
        %dma_start3A_119 = tpu.memref_slice %arg10[%dma_start3A_117, %dma_start3A_118] : memref<10240x64xf32, #tpu.memory_space<vmem_shared>> -> memref<10240x64xf32, #tpu.memory_space<vmem_shared>>
        tpu.enqueue_indirect_dma source(%arg9 : memref<128x64xf32, #tpu.memory_space<vmem>>) target(%dma_start3A_119 : memref<10240x64xf32, #tpu.memory_space<vmem_shared>>) offsets(%dma_start3A_116 : memref<128xi32, #tpu.memory_space<vmem>>) semaphore(%run_scoped3A_113 : memref<!tpu.dma_semaphore, #tpu.memory_space<semaphore_mem>>) {add = true}
        %dma_wait3A_120 = arith.constant 0 : i32
        %dma_wait3A_121 = tpu.memref_slice %arg7[%add3A_112, %dma_wait3A_120] : memref<158x128xi32, #tpu.memory_space<vmem>> -> memref<1x128xi32, #tpu.memory_space<vmem>>
        %dma_wait3A_122 = tpu.memref_squeeze %dma_wait3A_121 : memref<1x128xi32, #tpu.memory_space<vmem>> -> memref<128xi32, #tpu.memory_space<vmem>>
        %dma_wait3A_123 = arith.constant 0 : i32
        %dma_wait3A_124 = arith.constant 0 : i32
        %dma_wait3A_125 = tpu.memref_slice %arg10[%dma_wait3A_123, %dma_wait3A_124] : memref<10240x64xf32, #tpu.memory_space<vmem_shared>> -> memref<10240x64xf32, #tpu.memory_space<vmem_shared>>
        tpu.wait_indirect_dma semaphore(%run_scoped3A_113 : memref<!tpu.dma_semaphore, #tpu.memory_space<semaphore_mem>>) src(%arg9 : memref<128x64xf32, #tpu.memory_space<vmem>>) dst(%dma_wait3A_125 : memref<10240x64xf32, #tpu.memory_space<vmem_shared>>)
        tpu.yield
      }) : () -> ()
    }
    %scan3A_35 = arith.constant 78 : i32
    %dma_start3A_36 = arith.constant 157 : i32
    %dma_start3A_37 = arith.constant 0 : i32
    %dma_start3A_38 = tpu.memref_slice %arg6[%dma_start3A_36, %dma_start3A_37] : memref<158x128xi32, #tpu.memory_space<vmem>> -> memref<1x128xi32, #tpu.memory_space<vmem>>
    %dma_start3A_39 = tpu.memref_squeeze %dma_start3A_38 : memref<1x128xi32, #tpu.memory_space<vmem>> -> memref<128xi32, #tpu.memory_space<vmem>>
    %dma_start3A_40 = arith.constant 0 : i32
    %dma_start3A_41 = arith.constant 0 : i32
    %dma_start3A_42 = tpu.memref_slice %arg2[%dma_start3A_40, %dma_start3A_41] : memref<20000x64xf32, #tpu.memory_space<hbm>> -> memref<20000x64xf32, #tpu.memory_space<hbm>>
    tpu.enqueue_indirect_dma source(%dma_start3A_42 : memref<20000x64xf32, #tpu.memory_space<hbm>>) target(%arg9 : memref<128x64xf32, #tpu.memory_space<vmem>>) offsets(%dma_start3A_39 : memref<128xi32, #tpu.memory_space<vmem>>) semaphore(%arg12 : memref<!tpu.dma_semaphore, #tpu.memory_space<semaphore_mem>>)
    %dma_wait3A = arith.constant 156 : i32
    %dma_wait3A_43 = arith.constant 0 : i32
    %dma_wait3A_44 = tpu.memref_slice %arg6[%dma_wait3A, %dma_wait3A_43] : memref<158x128xi32, #tpu.memory_space<vmem>> -> memref<1x128xi32, #tpu.memory_space<vmem>>
    %dma_wait3A_45 = tpu.memref_squeeze %dma_wait3A_44 : memref<1x128xi32, #tpu.memory_space<vmem>> -> memref<128xi32, #tpu.memory_space<vmem>>
    %dma_wait3A_46 = arith.constant 0 : i32
    %dma_wait3A_47 = arith.constant 0 : i32
    %dma_wait3A_48 = tpu.memref_slice %arg2[%dma_wait3A_46, %dma_wait3A_47] : memref<20000x64xf32, #tpu.memory_space<hbm>> -> memref<20000x64xf32, #tpu.memory_space<hbm>>
    tpu.wait_indirect_dma semaphore(%arg11 : memref<!tpu.dma_semaphore, #tpu.memory_space<semaphore_mem>>) src(%dma_wait3A_48 : memref<20000x64xf32, #tpu.memory_space<hbm>>) dst(%arg8 : memref<128x64xf32, #tpu.memory_space<vmem>>)
    %run_scoped3A = arith.constant 156 : i32
    "tpu.region"() ({
      %run_scoped3A_78 = tpu.sem_alloc : memref<!tpu.dma_semaphore, #tpu.memory_space<semaphore_mem>>
      %dma_start3A_79 = arith.constant 0 : i32
      %dma_start3A_80 = tpu.memref_slice %arg7[%run_scoped3A, %dma_start3A_79] : memref<158x128xi32, #tpu.memory_space<vmem>> -> memref<1x128xi32, #tpu.memory_space<vmem>>
      %dma_start3A_81 = tpu.memref_squeeze %dma_start3A_80 : memref<1x128xi32, #tpu.memory_space<vmem>> -> memref<128xi32, #tpu.memory_space<vmem>>
      %dma_start3A_82 = arith.constant 0 : i32
      %dma_start3A_83 = arith.constant 0 : i32
      %dma_start3A_84 = tpu.memref_slice %arg10[%dma_start3A_82, %dma_start3A_83] : memref<10240x64xf32, #tpu.memory_space<vmem_shared>> -> memref<10240x64xf32, #tpu.memory_space<vmem_shared>>
      tpu.enqueue_indirect_dma source(%arg8 : memref<128x64xf32, #tpu.memory_space<vmem>>) target(%dma_start3A_84 : memref<10240x64xf32, #tpu.memory_space<vmem_shared>>) offsets(%dma_start3A_81 : memref<128xi32, #tpu.memory_space<vmem>>) semaphore(%run_scoped3A_78 : memref<!tpu.dma_semaphore, #tpu.memory_space<semaphore_mem>>) {add = true}
      %dma_wait3A_85 = arith.constant 0 : i32
      %dma_wait3A_86 = tpu.memref_slice %arg7[%run_scoped3A, %dma_wait3A_85] : memref<158x128xi32, #tpu.memory_space<vmem>> -> memref<1x128xi32, #tpu.memory_space<vmem>>
      %dma_wait3A_87 = tpu.memref_squeeze %dma_wait3A_86 : memref<1x128xi32, #tpu.memory_space<vmem>> -> memref<128xi32, #tpu.memory_space<vmem>>
      %dma_wait3A_88 = arith.constant 0 : i32
      %dma_wait3A_89 = arith.constant 0 : i32
      %dma_wait3A_90 = tpu.memref_slice %arg10[%dma_wait3A_88, %dma_wait3A_89] : memref<10240x64xf32, #tpu.memory_space<vmem_shared>> -> memref<10240x64xf32, #tpu.memory_space<vmem_shared>>
      tpu.wait_indirect_dma semaphore(%run_scoped3A_78 : memref<!tpu.dma_semaphore, #tpu.memory_space<semaphore_mem>>) src(%arg8 : memref<128x64xf32, #tpu.memory_space<vmem>>) dst(%dma_wait3A_90 : memref<10240x64xf32, #tpu.memory_space<vmem_shared>>)
      tpu.yield
    }) : () -> ()
    %dma_wait3A_49 = arith.constant 157 : i32
    %dma_wait3A_50 = arith.constant 0 : i32
    %dma_wait3A_51 = tpu.memref_slice %arg6[%dma_wait3A_49, %dma_wait3A_50] : memref<158x128xi32, #tpu.memory_space<vmem>> -> memref<1x128xi32, #tpu.memory_space<vmem>>
    %dma_wait3A_52 = tpu.memref_squeeze %dma_wait3A_51 : memref<1x128xi32, #tpu.memory_space<vmem>> -> memref<128xi32, #tpu.memory_space<vmem>>
    %dma_wait3A_53 = arith.constant 0 : i32
    %dma_wait3A_54 = arith.constant 0 : i32
    %dma_wait3A_55 = tpu.memref_slice %arg2[%dma_wait3A_53, %dma_wait3A_54] : memref<20000x64xf32, #tpu.memory_space<hbm>> -> memref<20000x64xf32, #tpu.memory_space<hbm>>
    tpu.wait_indirect_dma semaphore(%arg12 : memref<!tpu.dma_semaphore, #tpu.memory_space<semaphore_mem>>) src(%dma_wait3A_55 : memref<20000x64xf32, #tpu.memory_space<hbm>>) dst(%arg9 : memref<128x64xf32, #tpu.memory_space<vmem>>)
    %run_scoped3A_56 = arith.constant 157 : i32
    "tpu.region"() ({
      %run_scoped3A_78 = tpu.sem_alloc : memref<!tpu.dma_semaphore, #tpu.memory_space<semaphore_mem>>
      %dma_start3A_79 = arith.constant 0 : i32
      %dma_start3A_80 = tpu.memref_slice %arg7[%run_scoped3A_56, %dma_start3A_79] : memref<158x128xi32, #tpu.memory_space<vmem>> -> memref<1x128xi32, #tpu.memory_space<vmem>>
      %dma_start3A_81 = tpu.memref_squeeze %dma_start3A_80 : memref<1x128xi32, #tpu.memory_space<vmem>> -> memref<128xi32, #tpu.memory_space<vmem>>
      %dma_start3A_82 = arith.constant 0 : i32
      %dma_start3A_83 = arith.constant 0 : i32
      %dma_start3A_84 = tpu.memref_slice %arg10[%dma_start3A_82, %dma_start3A_83] : memref<10240x64xf32, #tpu.memory_space<vmem_shared>> -> memref<10240x64xf32, #tpu.memory_space<vmem_shared>>
      tpu.enqueue_indirect_dma source(%arg9 : memref<128x64xf32, #tpu.memory_space<vmem>>) target(%dma_start3A_84 : memref<10240x64xf32, #tpu.memory_space<vmem_shared>>) offsets(%dma_start3A_81 : memref<128xi32, #tpu.memory_space<vmem>>) semaphore(%run_scoped3A_78 : memref<!tpu.dma_semaphore, #tpu.memory_space<semaphore_mem>>) {add = true}
      %dma_wait3A_85 = arith.constant 0 : i32
      %dma_wait3A_86 = tpu.memref_slice %arg7[%run_scoped3A_56, %dma_wait3A_85] : memref<158x128xi32, #tpu.memory_space<vmem>> -> memref<1x128xi32, #tpu.memory_space<vmem>>
      %dma_wait3A_87 = tpu.memref_squeeze %dma_wait3A_86 : memref<1x128xi32, #tpu.memory_space<vmem>> -> memref<128xi32, #tpu.memory_space<vmem>>
      %dma_wait3A_88 = arith.constant 0 : i32
      %dma_wait3A_89 = arith.constant 0 : i32
      %dma_wait3A_90 = tpu.memref_slice %arg10[%dma_wait3A_88, %dma_wait3A_89] : memref<10240x64xf32, #tpu.memory_space<vmem_shared>> -> memref<10240x64xf32, #tpu.memory_space<vmem_shared>>
      tpu.wait_indirect_dma semaphore(%run_scoped3A_78 : memref<!tpu.dma_semaphore, #tpu.memory_space<semaphore_mem>>) src(%arg9 : memref<128x64xf32, #tpu.memory_space<vmem>>) dst(%dma_wait3A_90 : memref<10240x64xf32, #tpu.memory_space<vmem_shared>>)
      tpu.yield
    }) : () -> ()
    %barrier3A_57 = arith.constant 0 : index
    tpu.barrier barrier_id(%barrier3A_57)
    %mul3A_58 = arith.constant 640 : i32
    %mul3A_59 = arith.muli %arg1, %mul3A_58 : i32
    %add3A_60 = arith.constant 0 : i32
    %add3A_61 = arith.addi %mul3A_59, %add3A_60 : i32
    "tpu.region"() ({
      %run_scoped3A_78 = tpu.sem_alloc : memref<!tpu.dma_semaphore, #tpu.memory_space<semaphore_mem>>
      %dma_start3A_79 = arith.constant 0 : i32
      %dma_start3A_80 = tpu.memref_slice %arg10[%add3A_61, %dma_start3A_79] : memref<10240x64xf32, #tpu.memory_space<vmem_shared>> -> memref<128x64xf32, #tpu.memory_space<vmem_shared>>
      %dma_start3A_81 = arith.constant 0 : i32
      %dma_start3A_82 = tpu.memref_slice %arg10[%add3A_61, %dma_start3A_81] : memref<10240x64xf32, #tpu.memory_space<vmem_shared>> -> memref<128x64xf32, #tpu.memory_space<vmem_shared>>
      tpu.enqueue_dma source(%dma_start3A_82 : memref<128x64xf32, #tpu.memory_space<vmem_shared>>) target(%arg8 : memref<128x64xf32, #tpu.memory_space<vmem>>) target_semaphore(%run_scoped3A_78 : memref<!tpu.dma_semaphore, #tpu.memory_space<semaphore_mem>>)
      %dma_wait3A_83 = arith.constant 0 : i32
      %dma_wait3A_84 = tpu.memref_slice %arg10[%add3A_61, %dma_wait3A_83] : memref<10240x64xf32, #tpu.memory_space<vmem_shared>> -> memref<128x64xf32, #tpu.memory_space<vmem_shared>>
      %dma_wait3A_85 = arith.constant 0 : i32
      %dma_wait3A_86 = tpu.memref_slice %arg10[%add3A_61, %dma_wait3A_85] : memref<10240x64xf32, #tpu.memory_space<vmem_shared>> -> memref<128x64xf32, #tpu.memory_space<vmem_shared>>
      tpu.wait_dma2 semaphore(%run_scoped3A_78 : memref<!tpu.dma_semaphore, #tpu.memory_space<semaphore_mem>>) src(%dma_wait3A_86 : memref<128x64xf32, #tpu.memory_space<vmem_shared>>) dst(%arg8 : memref<128x64xf32, #tpu.memory_space<vmem>>)
      tpu.yield
    }) : () -> ()
    "tpu.region"() ({
      %run_scoped3A_78 = tpu.sem_alloc : memref<!tpu.dma_semaphore, #tpu.memory_space<semaphore_mem>>
      %dma_start3A_79 = arith.constant 0 : i32
      %dma_start3A_80 = tpu.memref_slice %arg5[%arg0, %add3A_61, %dma_start3A_79] : memref<2x10240x64xf32, #tpu.memory_space<hbm>> -> memref<1x128x64xf32, #tpu.memory_space<hbm>>
      %dma_start3A_81 = tpu.memref_squeeze %dma_start3A_80 : memref<1x128x64xf32, #tpu.memory_space<hbm>> -> memref<128x64xf32, #tpu.memory_space<hbm>>
      %dma_start3A_82 = arith.constant 0 : i32
      %dma_start3A_83 = tpu.memref_slice %arg5[%arg0, %add3A_61, %dma_start3A_82] : memref<2x10240x64xf32, #tpu.memory_space<hbm>> -> memref<1x128x64xf32, #tpu.memory_space<hbm>>
      %dma_start3A_84 = tpu.memref_squeeze %dma_start3A_83 : memref<1x128x64xf32, #tpu.memory_space<hbm>> -> memref<128x64xf32, #tpu.memory_space<hbm>>
      tpu.enqueue_dma source(%arg8 : memref<128x64xf32, #tpu.memory_space<vmem>>) target(%dma_start3A_84 : memref<128x64xf32, #tpu.memory_space<hbm>>) target_semaphore(%run_scoped3A_78 : memref<!tpu.dma_semaphore, #tpu.memory_space<semaphore_mem>>)
      %dma_wait3A_85 = arith.constant 0 : i32
      %dma_wait3A_86 = tpu.memref_slice %arg5[%arg0, %add3A_61, %dma_wait3A_85] : memref<2x10240x64xf32, #tpu.memory_space<hbm>> -> memref<1x128x64xf32, #tpu.memory_space<hbm>>
      %dma_wait3A_87 = tpu.memref_squeeze %dma_wait3A_86 : memref<1x128x64xf32, #tpu.memory_space<hbm>> -> memref<128x64xf32, #tpu.memory_space<hbm>>
      %dma_wait3A_88 = arith.constant 0 : i32
      %dma_wait3A_89 = tpu.memref_slice %arg5[%arg0, %add3A_61, %dma_wait3A_88] : memref<2x10240x64xf32, #tpu.memory_space<hbm>> -> memref<1x128x64xf32, #tpu.memory_space<hbm>>
      %dma_wait3A_90 = tpu.memref_squeeze %dma_wait3A_89 : memref<1x128x64xf32, #tpu.memory_space<hbm>> -> memref<128x64xf32, #tpu.memory_space<hbm>>
      tpu.wait_dma2 semaphore(%run_scoped3A_78 : memref<!tpu.dma_semaphore, #tpu.memory_space<semaphore_mem>>) src(%arg8 : memref<128x64xf32, #tpu.memory_space<vmem>>) dst(%dma_wait3A_90 : memref<128x64xf32, #tpu.memory_space<hbm>>)
      tpu.yield
    }) : () -> ()
    %mul3A_62 = arith.constant 640 : i32
    %mul3A_63 = arith.muli %arg1, %mul3A_62 : i32
    %add3A_64 = arith.constant 128 : i32
    %add3A_65 = arith.addi %mul3A_63, %add3A_64 : i32
    "tpu.region"() ({
      %run_scoped3A_78 = tpu.sem_alloc : memref<!tpu.dma_semaphore, #tpu.memory_space<semaphore_mem>>
      %dma_start3A_79 = arith.constant 0 : i32
      %dma_start3A_80 = tpu.memref_slice %arg10[%add3A_65, %dma_start3A_79] : memref<10240x64xf32, #tpu.memory_space<vmem_shared>> -> memref<128x64xf32, #tpu.memory_space<vmem_shared>>
      %dma_start3A_81 = arith.constant 0 : i32
      %dma_start3A_82 = tpu.memref_slice %arg10[%add3A_65, %dma_start3A_81] : memref<10240x64xf32, #tpu.memory_space<vmem_shared>> -> memref<128x64xf32, #tpu.memory_space<vmem_shared>>
      tpu.enqueue_dma source(%dma_start3A_82 : memref<128x64xf32, #tpu.memory_space<vmem_shared>>) target(%arg8 : memref<128x64xf32, #tpu.memory_space<vmem>>) target_semaphore(%run_scoped3A_78 : memref<!tpu.dma_semaphore, #tpu.memory_space<semaphore_mem>>)
      %dma_wait3A_83 = arith.constant 0 : i32
      %dma_wait3A_84 = tpu.memref_slice %arg10[%add3A_65, %dma_wait3A_83] : memref<10240x64xf32, #tpu.memory_space<vmem_shared>> -> memref<128x64xf32, #tpu.memory_space<vmem_shared>>
      %dma_wait3A_85 = arith.constant 0 : i32
      %dma_wait3A_86 = tpu.memref_slice %arg10[%add3A_65, %dma_wait3A_85] : memref<10240x64xf32, #tpu.memory_space<vmem_shared>> -> memref<128x64xf32, #tpu.memory_space<vmem_shared>>
      tpu.wait_dma2 semaphore(%run_scoped3A_78 : memref<!tpu.dma_semaphore, #tpu.memory_space<semaphore_mem>>) src(%dma_wait3A_86 : memref<128x64xf32, #tpu.memory_space<vmem_shared>>) dst(%arg8 : memref<128x64xf32, #tpu.memory_space<vmem>>)
      tpu.yield
    }) : () -> ()
    "tpu.region"() ({
      %run_scoped3A_78 = tpu.sem_alloc : memref<!tpu.dma_semaphore, #tpu.memory_space<semaphore_mem>>
      %dma_start3A_79 = arith.constant 0 : i32
      %dma_start3A_80 = tpu.memref_slice %arg5[%arg0, %add3A_65, %dma_start3A_79] : memref<2x10240x64xf32, #tpu.memory_space<hbm>> -> memref<1x128x64xf32, #tpu.memory_space<hbm>>
      %dma_start3A_81 = tpu.memref_squeeze %dma_start3A_80 : memref<1x128x64xf32, #tpu.memory_space<hbm>> -> memref<128x64xf32, #tpu.memory_space<hbm>>
      %dma_start3A_82 = arith.constant 0 : i32
      %dma_start3A_83 = tpu.memref_slice %arg5[%arg0, %add3A_65, %dma_start3A_82] : memref<2x10240x64xf32, #tpu.memory_space<hbm>> -> memref<1x128x64xf32, #tpu.memory_space<hbm>>
      %dma_start3A_84 = tpu.memref_squeeze %dma_start3A_83 : memref<1x128x64xf32, #tpu.memory_space<hbm>> -> memref<128x64xf32, #tpu.memory_space<hbm>>
      tpu.enqueue_dma source(%arg8 : memref<128x64xf32, #tpu.memory_space<vmem>>) target(%dma_start3A_84 : memref<128x64xf32, #tpu.memory_space<hbm>>) target_semaphore(%run_scoped3A_78 : memref<!tpu.dma_semaphore, #tpu.memory_space<semaphore_mem>>)
      %dma_wait3A_85 = arith.constant 0 : i32
      %dma_wait3A_86 = tpu.memref_slice %arg5[%arg0, %add3A_65, %dma_wait3A_85] : memref<2x10240x64xf32, #tpu.memory_space<hbm>> -> memref<1x128x64xf32, #tpu.memory_space<hbm>>
      %dma_wait3A_87 = tpu.memref_squeeze %dma_wait3A_86 : memref<1x128x64xf32, #tpu.memory_space<hbm>> -> memref<128x64xf32, #tpu.memory_space<hbm>>
      %dma_wait3A_88 = arith.constant 0 : i32
      %dma_wait3A_89 = tpu.memref_slice %arg5[%arg0, %add3A_65, %dma_wait3A_88] : memref<2x10240x64xf32, #tpu.memory_space<hbm>> -> memref<1x128x64xf32, #tpu.memory_space<hbm>>
      %dma_wait3A_90 = tpu.memref_squeeze %dma_wait3A_89 : memref<1x128x64xf32, #tpu.memory_space<hbm>> -> memref<128x64xf32, #tpu.memory_space<hbm>>
      tpu.wait_dma2 semaphore(%run_scoped3A_78 : memref<!tpu.dma_semaphore, #tpu.memory_space<semaphore_mem>>) src(%arg8 : memref<128x64xf32, #tpu.memory_space<vmem>>) dst(%dma_wait3A_90 : memref<128x64xf32, #tpu.memory_space<hbm>>)
      tpu.yield
    }) : () -> ()
    %mul3A_66 = arith.constant 640 : i32
    %mul3A_67 = arith.muli %arg1, %mul3A_66 : i32
    %add3A_68 = arith.constant 256 : i32
    %add3A_69 = arith.addi %mul3A_67, %add3A_68 : i32
    "tpu.region"() ({
      %run_scoped3A_78 = tpu.sem_alloc : memref<!tpu.dma_semaphore, #tpu.memory_space<semaphore_mem>>
      %dma_start3A_79 = arith.constant 0 : i32
      %dma_start3A_80 = tpu.memref_slice %arg10[%add3A_69, %dma_start3A_79] : memref<10240x64xf32, #tpu.memory_space<vmem_shared>> -> memref<128x64xf32, #tpu.memory_space<vmem_shared>>
      %dma_start3A_81 = arith.constant 0 : i32
      %dma_start3A_82 = tpu.memref_slice %arg10[%add3A_69, %dma_start3A_81] : memref<10240x64xf32, #tpu.memory_space<vmem_shared>> -> memref<128x64xf32, #tpu.memory_space<vmem_shared>>
      tpu.enqueue_dma source(%dma_start3A_82 : memref<128x64xf32, #tpu.memory_space<vmem_shared>>) target(%arg8 : memref<128x64xf32, #tpu.memory_space<vmem>>) target_semaphore(%run_scoped3A_78 : memref<!tpu.dma_semaphore, #tpu.memory_space<semaphore_mem>>)
      %dma_wait3A_83 = arith.constant 0 : i32
      %dma_wait3A_84 = tpu.memref_slice %arg10[%add3A_69, %dma_wait3A_83] : memref<10240x64xf32, #tpu.memory_space<vmem_shared>> -> memref<128x64xf32, #tpu.memory_space<vmem_shared>>
      %dma_wait3A_85 = arith.constant 0 : i32
      %dma_wait3A_86 = tpu.memref_slice %arg10[%add3A_69, %dma_wait3A_85] : memref<10240x64xf32, #tpu.memory_space<vmem_shared>> -> memref<128x64xf32, #tpu.memory_space<vmem_shared>>
      tpu.wait_dma2 semaphore(%run_scoped3A_78 : memref<!tpu.dma_semaphore, #tpu.memory_space<semaphore_mem>>) src(%dma_wait3A_86 : memref<128x64xf32, #tpu.memory_space<vmem_shared>>) dst(%arg8 : memref<128x64xf32, #tpu.memory_space<vmem>>)
      tpu.yield
    }) : () -> ()
    "tpu.region"() ({
      %run_scoped3A_78 = tpu.sem_alloc : memref<!tpu.dma_semaphore, #tpu.memory_space<semaphore_mem>>
      %dma_start3A_79 = arith.constant 0 : i32
      %dma_start3A_80 = tpu.memref_slice %arg5[%arg0, %add3A_69, %dma_start3A_79] : memref<2x10240x64xf32, #tpu.memory_space<hbm>> -> memref<1x128x64xf32, #tpu.memory_space<hbm>>
      %dma_start3A_81 = tpu.memref_squeeze %dma_start3A_80 : memref<1x128x64xf32, #tpu.memory_space<hbm>> -> memref<128x64xf32, #tpu.memory_space<hbm>>
      %dma_start3A_82 = arith.constant 0 : i32
      %dma_start3A_83 = tpu.memref_slice %arg5[%arg0, %add3A_69, %dma_start3A_82] : memref<2x10240x64xf32, #tpu.memory_space<hbm>> -> memref<1x128x64xf32, #tpu.memory_space<hbm>>
      %dma_start3A_84 = tpu.memref_squeeze %dma_start3A_83 : memref<1x128x64xf32, #tpu.memory_space<hbm>> -> memref<128x64xf32, #tpu.memory_space<hbm>>
      tpu.enqueue_dma source(%arg8 : memref<128x64xf32, #tpu.memory_space<vmem>>) target(%dma_start3A_84 : memref<128x64xf32, #tpu.memory_space<hbm>>) target_semaphore(%run_scoped3A_78 : memref<!tpu.dma_semaphore, #tpu.memory_space<semaphore_mem>>)
      %dma_wait3A_85 = arith.constant 0 : i32
      %dma_wait3A_86 = tpu.memref_slice %arg5[%arg0, %add3A_69, %dma_wait3A_85] : memref<2x10240x64xf32, #tpu.memory_space<hbm>> -> memref<1x128x64xf32, #tpu.memory_space<hbm>>
      %dma_wait3A_87 = tpu.memref_squeeze %dma_wait3A_86 : memref<1x128x64xf32, #tpu.memory_space<hbm>> -> memref<128x64xf32, #tpu.memory_space<hbm>>
      %dma_wait3A_88 = arith.constant 0 : i32
      %dma_wait3A_89 = tpu.memref_slice %arg5[%arg0, %add3A_69, %dma_wait3A_88] : memref<2x10240x64xf32, #tpu.memory_space<hbm>> -> memref<1x128x64xf32, #tpu.memory_space<hbm>>
      %dma_wait3A_90 = tpu.memref_squeeze %dma_wait3A_89 : memref<1x128x64xf32, #tpu.memory_space<hbm>> -> memref<128x64xf32, #tpu.memory_space<hbm>>
      tpu.wait_dma2 semaphore(%run_scoped3A_78 : memref<!tpu.dma_semaphore, #tpu.memory_space<semaphore_mem>>) src(%arg8 : memref<128x64xf32, #tpu.memory_space<vmem>>) dst(%dma_wait3A_90 : memref<128x64xf32, #tpu.memory_space<hbm>>)
      tpu.yield
    }) : () -> ()
    %mul3A_70 = arith.constant 640 : i32
    %mul3A_71 = arith.muli %arg1, %mul3A_70 : i32
    %add3A_72 = arith.constant 384 : i32
    %add3A_73 = arith.addi %mul3A_71, %add3A_72 : i32
    "tpu.region"() ({
      %run_scoped3A_78 = tpu.sem_alloc : memref<!tpu.dma_semaphore, #tpu.memory_space<semaphore_mem>>
      %dma_start3A_79 = arith.constant 0 : i32
      %dma_start3A_80 = tpu.memref_slice %arg10[%add3A_73, %dma_start3A_79] : memref<10240x64xf32, #tpu.memory_space<vmem_shared>> -> memref<128x64xf32, #tpu.memory_space<vmem_shared>>
      %dma_start3A_81 = arith.constant 0 : i32
      %dma_start3A_82 = tpu.memref_slice %arg10[%add3A_73, %dma_start3A_81] : memref<10240x64xf32, #tpu.memory_space<vmem_shared>> -> memref<128x64xf32, #tpu.memory_space<vmem_shared>>
      tpu.enqueue_dma source(%dma_start3A_82 : memref<128x64xf32, #tpu.memory_space<vmem_shared>>) target(%arg8 : memref<128x64xf32, #tpu.memory_space<vmem>>) target_semaphore(%run_scoped3A_78 : memref<!tpu.dma_semaphore, #tpu.memory_space<semaphore_mem>>)
      %dma_wait3A_83 = arith.constant 0 : i32
      %dma_wait3A_84 = tpu.memref_slice %arg10[%add3A_73, %dma_wait3A_83] : memref<10240x64xf32, #tpu.memory_space<vmem_shared>> -> memref<128x64xf32, #tpu.memory_space<vmem_shared>>
      %dma_wait3A_85 = arith.constant 0 : i32
      %dma_wait3A_86 = tpu.memref_slice %arg10[%add3A_73, %dma_wait3A_85] : memref<10240x64xf32, #tpu.memory_space<vmem_shared>> -> memref<128x64xf32, #tpu.memory_space<vmem_shared>>
      tpu.wait_dma2 semaphore(%run_scoped3A_78 : memref<!tpu.dma_semaphore, #tpu.memory_space<semaphore_mem>>) src(%dma_wait3A_86 : memref<128x64xf32, #tpu.memory_space<vmem_shared>>) dst(%arg8 : memref<128x64xf32, #tpu.memory_space<vmem>>)
      tpu.yield
    }) : () -> ()
    "tpu.region"() ({
      %run_scoped3A_78 = tpu.sem_alloc : memref<!tpu.dma_semaphore, #tpu.memory_space<semaphore_mem>>
      %dma_start3A_79 = arith.constant 0 : i32
      %dma_start3A_80 = tpu.memref_slice %arg5[%arg0, %add3A_73, %dma_start3A_79] : memref<2x10240x64xf32, #tpu.memory_space<hbm>> -> memref<1x128x64xf32, #tpu.memory_space<hbm>>
      %dma_start3A_81 = tpu.memref_squeeze %dma_start3A_80 : memref<1x128x64xf32, #tpu.memory_space<hbm>> -> memref<128x64xf32, #tpu.memory_space<hbm>>
      %dma_start3A_82 = arith.constant 0 : i32
      %dma_start3A_83 = tpu.memref_slice %arg5[%arg0, %add3A_73, %dma_start3A_82] : memref<2x10240x64xf32, #tpu.memory_space<hbm>> -> memref<1x128x64xf32, #tpu.memory_space<hbm>>
      %dma_start3A_84 = tpu.memref_squeeze %dma_start3A_83 : memref<1x128x64xf32, #tpu.memory_space<hbm>> -> memref<128x64xf32, #tpu.memory_space<hbm>>
      tpu.enqueue_dma source(%arg8 : memref<128x64xf32, #tpu.memory_space<vmem>>) target(%dma_start3A_84 : memref<128x64xf32, #tpu.memory_space<hbm>>) target_semaphore(%run_scoped3A_78 : memref<!tpu.dma_semaphore, #tpu.memory_space<semaphore_mem>>)
      %dma_wait3A_85 = arith.constant 0 : i32
      %dma_wait3A_86 = tpu.memref_slice %arg5[%arg0, %add3A_73, %dma_wait3A_85] : memref<2x10240x64xf32, #tpu.memory_space<hbm>> -> memref<1x128x64xf32, #tpu.memory_space<hbm>>
      %dma_wait3A_87 = tpu.memref_squeeze %dma_wait3A_86 : memref<1x128x64xf32, #tpu.memory_space<hbm>> -> memref<128x64xf32, #tpu.memory_space<hbm>>
      %dma_wait3A_88 = arith.constant 0 : i32
      %dma_wait3A_89 = tpu.memref_slice %arg5[%arg0, %add3A_73, %dma_wait3A_88] : memref<2x10240x64xf32, #tpu.memory_space<hbm>> -> memref<1x128x64xf32, #tpu.memory_space<hbm>>
      %dma_wait3A_90 = tpu.memref_squeeze %dma_wait3A_89 : memref<1x128x64xf32, #tpu.memory_space<hbm>> -> memref<128x64xf32, #tpu.memory_space<hbm>>
      tpu.wait_dma2 semaphore(%run_scoped3A_78 : memref<!tpu.dma_semaphore, #tpu.memory_space<semaphore_mem>>) src(%arg8 : memref<128x64xf32, #tpu.memory_space<vmem>>) dst(%dma_wait3A_90 : memref<128x64xf32, #tpu.memory_space<hbm>>)
      tpu.yield
    }) : () -> ()
    %mul3A_74 = arith.constant 640 : i32
    %mul3A_75 = arith.muli %arg1, %mul3A_74 : i32
    %add3A_76 = arith.constant 512 : i32
    %add3A_77 = arith.addi %mul3A_75, %add3A_76 : i32
    "tpu.region"() ({
      %run_scoped3A_78 = tpu.sem_alloc : memref<!tpu.dma_semaphore, #tpu.memory_space<semaphore_mem>>
      %dma_start3A_79 = arith.constant 0 : i32
      %dma_start3A_80 = tpu.memref_slice %arg10[%add3A_77, %dma_start3A_79] : memref<10240x64xf32, #tpu.memory_space<vmem_shared>> -> memref<128x64xf32, #tpu.memory_space<vmem_shared>>
      %dma_start3A_81 = arith.constant 0 : i32
      %dma_start3A_82 = tpu.memref_slice %arg10[%add3A_77, %dma_start3A_81] : memref<10240x64xf32, #tpu.memory_space<vmem_shared>> -> memref<128x64xf32, #tpu.memory_space<vmem_shared>>
      tpu.enqueue_dma source(%dma_start3A_82 : memref<128x64xf32, #tpu.memory_space<vmem_shared>>) target(%arg8 : memref<128x64xf32, #tpu.memory_space<vmem>>) target_semaphore(%run_scoped3A_78 : memref<!tpu.dma_semaphore, #tpu.memory_space<semaphore_mem>>)
      %dma_wait3A_83 = arith.constant 0 : i32
      %dma_wait3A_84 = tpu.memref_slice %arg10[%add3A_77, %dma_wait3A_83] : memref<10240x64xf32, #tpu.memory_space<vmem_shared>> -> memref<128x64xf32, #tpu.memory_space<vmem_shared>>
      %dma_wait3A_85 = arith.constant 0 : i32
      %dma_wait3A_86 = tpu.memref_slice %arg10[%add3A_77, %dma_wait3A_85] : memref<10240x64xf32, #tpu.memory_space<vmem_shared>> -> memref<128x64xf32, #tpu.memory_space<vmem_shared>>
      tpu.wait_dma2 semaphore(%run_scoped3A_78 : memref<!tpu.dma_semaphore, #tpu.memory_space<semaphore_mem>>) src(%dma_wait3A_86 : memref<128x64xf32, #tpu.memory_space<vmem_shared>>) dst(%arg8 : memref<128x64xf32, #tpu.memory_space<vmem>>)
      tpu.yield
    }) : () -> ()
    "tpu.region"() ({
      %run_scoped3A_78 = tpu.sem_alloc : memref<!tpu.dma_semaphore, #tpu.memory_space<semaphore_mem>>
      %dma_start3A_79 = arith.constant 0 : i32
      %dma_start3A_80 = tpu.memref_slice %arg5[%arg0, %add3A_77, %dma_start3A_79] : memref<2x10240x64xf32, #tpu.memory_space<hbm>> -> memref<1x128x64xf32, #tpu.memory_space<hbm>>
      %dma_start3A_81 = tpu.memref_squeeze %dma_start3A_80 : memref<1x128x64xf32, #tpu.memory_space<hbm>> -> memref<128x64xf32, #tpu.memory_space<hbm>>
      %dma_start3A_82 = arith.constant 0 : i32
      %dma_start3A_83 = tpu.memref_slice %arg5[%arg0, %add3A_77, %dma_start3A_82] : memref<2x10240x64xf32, #tpu.memory_space<hbm>> -> memref<1x128x64xf32, #tpu.memory_space<hbm>>
      %dma_start3A_84 = tpu.memref_squeeze %dma_start3A_83 : memref<1x128x64xf32, #tpu.memory_space<hbm>> -> memref<128x64xf32, #tpu.memory_space<hbm>>
      tpu.enqueue_dma source(%arg8 : memref<128x64xf32, #tpu.memory_space<vmem>>) target(%dma_start3A_84 : memref<128x64xf32, #tpu.memory_space<hbm>>) target_semaphore(%run_scoped3A_78 : memref<!tpu.dma_semaphore, #tpu.memory_space<semaphore_mem>>)
      %dma_wait3A_85 = arith.constant 0 : i32
      %dma_wait3A_86 = tpu.memref_slice %arg5[%arg0, %add3A_77, %dma_wait3A_85] : memref<2x10240x64xf32, #tpu.memory_space<hbm>> -> memref<1x128x64xf32, #tpu.memory_space<hbm>>
      %dma_wait3A_87 = tpu.memref_squeeze %dma_wait3A_86 : memref<1x128x64xf32, #tpu.memory_space<hbm>> -> memref<128x64xf32, #tpu.memory_space<hbm>>
      %dma_wait3A_88 = arith.constant 0 : i32
      %dma_wait3A_89 = tpu.memref_slice %arg5[%arg0, %add3A_77, %dma_wait3A_88] : memref<2x10240x64xf32, #tpu.memory_space<hbm>> -> memref<1x128x64xf32, #tpu.memory_space<hbm>>
      %dma_wait3A_90 = tpu.memref_squeeze %dma_wait3A_89 : memref<1x128x64xf32, #tpu.memory_space<hbm>> -> memref<128x64xf32, #tpu.memory_space<hbm>>
      tpu.wait_dma2 semaphore(%run_scoped3A_78 : memref<!tpu.dma_semaphore, #tpu.memory_space<semaphore_mem>>) src(%arg8 : memref<128x64xf32, #tpu.memory_space<vmem>>) dst(%dma_wait3A_90 : memref<128x64xf32, #tpu.memory_space<hbm>>)
      tpu.yield
    }) : () -> ()
    return
  }
}

</mosaic_0001>

<sc_bundles>
// kernel: kernel.3.cloned.1.call-start
scs
__scs_entry_jumppad:
0x0: {  	(pc) =	sbr.rel $0x88, $3  }
0x1: {  	(tag) =	ssettag $0x0;
	lr =	simm.s32 $0x1  }
0x2: {  	[smem:$0x3F9F] =	sst lr;
	_ =	strace $0xD0000000  }
0x3: {  	_ = 	snop  }
0x4: {  	_ = 	snop  }
0x5: {  	_ = 	snop  }
0x6: {  	_ = 	snop  }
0x7: {  	_ = 	snop  }
__scs_overlays_trampoline_lowered:
0x8: {  	[smem:$0x3FAE] =	sst s0  }
0x9: {  	[smem:$0x3FAF] =	sst s1  }
0xa: {  	[smem:$0x3FB0] =	sst s2  }
0xb: {  	[smem:$0x3FB1] =	sst s3  }
0xc: {  	[smem:$0x3FB2] =	sst s4  }
0xd: {  	[smem:$0x3FB3] =	sst s5  }
0xe: {  	[smem:$0x3FB4] =	sst s6  }
0xf: {  	[smem:$0x3FB5] =	sst s7  }
0x10: {  	[smem:$0x3FB6] =	sst s8  }
0x11: {  	[smem:$0x3FB7] =	sst s9;
	s0 =	simm.s32 @!p0 $0x0  }
0x12: {  	s1 =	sld [smem:$0x3F9D];
	s0 =	simm.s32 @p0 $0x1  }
0x13: {  	[smem:$0x3FB8] =	sst s0;
	s0 =	simm.s32 @!p1 $0x0  }
0x14: {  	s2 =	sld [smem:$0x3F9C];
	s0 =	simm.s32 @p1 $0x1  }
0x15: {  	[smem:$0x3FB9] =	sst s0;
	s0 =	simm.s32 @!p2 $0x0  }
0x16: {  	s3 =	sld [smem:$0x3FDB];
	s0 =	simm.s32 @p2 $0x1  }
0x17: {  	s4 =	simm.s32 $0x1BF5;
	[smem:$0x3FBB] =	sst s0  }
0x18: {  	s0 =	sld [smem:$0x3F9E];
	_ =	swait.ge [sflag:s4], $0x0  }
0x19: {  	s7 =	sld [smem:$0x3F9F]  }
0x1a: {  	s8 =	sadd.s32 $0xFFFFE003, lr  }
0x1b: {  	s9 =	sadd.s32 $0xFFFFFEF7, lr;
	s5 =	simm.s32 $0xFFFFFFFF;
	p2 =	slt.u32 s8, $0xFFFFF086  }
0x1c: {  	p1 =	slt.u32 s9, $0xF7A;
	s5 =	simm.s32 @!p2 $0x0  }
0x1d: {  	s5 =	simm.s32 @p1 $0x1;
	p0 =	seq.s32 s7, s2  }
0x1e: {  	s7 =	smul.u32 @!p0 $0xF7A, s2;
	p2 =	seq.s32 @!p0 s5, $0x0  }
0x1f: {  	s9 =	smul.u32 $0xF7A, s1;
	s8 =	simm.s32 @!p0 $0x1BF5;
	p2 =	por !p2, p0  }
0x20: {  	[sflag:s8] =	ssyncset.s32 @!p0 $0xFFFFF086;
	s6 =	sadd.s32 @!p0 s3, s7;
	s7 =	simm.s32 @!p0 $0x108  }
0x21: {  	s3 =	sadd.s32 s3, s9;
	s6 =	sadd.s32 @!p0 $0x88, s6;
	s7 =	simm.s32 @p2 $0x1082  }
0x22: {  	[simem:s7], [sflag:s8] =	dma.local @!p0 [hbm:s6], $0xF7A  }
0x23: {  	s9 =	sor.u32 $0xD0000000, s2;
	s6 =	simm.s32 $0x108;
	_ =	swait.ge @!p0 [sflag:s8], $0x0  }
0x24: {  	s3 =	sadd.s32 $0x88, s3;
	s6 =	simm.s32 @!p1 $0x1082;
	[sflag:s4] =	ssyncset.s32 $0xFFFFF086  }
0x25: {  	[simem:s6], [sflag:s4] =	dma.local [hbm:s3], $0xF7A  }
0x26: {  	[smem:$0x3F9F] =	sst s1;
	(tag) =	ssettag s2;
	_ =	strace s9  }
0x27: {  	s1 =	sld [smem:$0x3FAF]  }
0x28: {  	s2 =	sld [smem:$0x3FB0]  }
0x29: {  	s4 =	sld [smem:$0x3FB2]  }
0x2a: {  	p0 =	seq.s32 s5, $0x0;
	s5 =	sld [smem:$0x3FB3]  }
0x2b: {  	s6 =	sld [smem:$0x3FB4]  }
0x2c: {  	s7 =	sld [smem:$0x3FB5]  }
0x2d: {  	s3 =	simm.s32 $0x108;
	s8 =	sld [smem:$0x3FB6]  }
0x2e: {  	s3 =	simm.s32 @!p0 $0x1082;
	s9 =	sld [smem:$0x3FB7]  }
0x2f: {  	lr =	sadd.s32 s0, s3;
	s0 =	sld [smem:$0x3FAE]  }
0x30: {  	s3 =	sld [smem:$0x3FB1]  }
0x31: {  	[smem:$0x3FBA] =	sst s10  }
0x32: {  	s10 =	sld [smem:$0x3FB8];
	_ =	sdelay $0x3  }
0x33: {  	p0 =	seq.s32 s10, $0x1;
	s10 =	sld [smem:$0x3FBA];
	_ =	sdelay $0x3  }
0x34: {  	[smem:$0x3FBA] =	sst s10  }
0x35: {  	s10 =	sld [smem:$0x3FB9];
	_ =	sdelay $0x3  }
0x36: {  	p1 =	seq.s32 s10, $0x1;
	s10 =	sld [smem:$0x3FBA];
	_ =	sdelay $0x3  }
0x37: {  	[smem:$0x3FBA] =	sst s10  }
0x38: {  	s10 =	sld [smem:$0x3FBB]  }
0x39: {  	_ = 	snop;
	(pc) =	sbr.ind lr, $3  }
0x3a: {  	_ = 	snop  }
0x3b: {  	_ = 	snop  }
0x3c: {  	p2 =	seq.s32 s10, $0x1;
	s10 =	sld [smem:$0x3FBA]  }
0x3d: {  	_ =	shalt  }
0x3e: {  	_ =	shalt  }
0x3f: {  	_ =	shalt  }
0x40: {  	_ =	shalt  }
0x41: {  	_ =	shalt  }
0x42: {  	_ =	shalt  }
0x43: {  	_ =	shalt  }
0x44: {  	_ =	shalt  }
0x45: {  	_ =	shalt  }
0x46: {  	_ =	shalt  }
0x47: {  	_ =	shalt  }
0x48: {  	_ =	shalt  }
0x49: {  	_ =	shalt  }
0x4a: {  	_ =	shalt  }
0x4b: {  	_ =	shalt  }
0x4c: {  	_ =	shalt  }
0x4d: {  	_ =	shalt  }
0x4e: {  	_ =	shalt  }
0x4f: {  	_ =	shalt  }
0x50: {  	_ =	shalt  }
0x51: {  	_ =	shalt  }
0x52: {  	_ =	shalt  }
0x53: {  	_ =	shalt  }
0x54: {  	_ =	shalt  }
0x55: {  	_ =	shalt  }
0x56: {  	_ =	shalt  }
0x57: {  	_ =	shalt  }
0x58: {  	_ =	shalt  }
0x59: {  	_ =	shalt  }
0x5a: {  	_ =	shalt  }
0x5b: {  	_ =	shalt  }
0x5c: {  	_ =	shalt  }
0x5d: {  	_ =	shalt  }
0x5e: {  	_ =	shalt  }
0x5f: {  	_ =	shalt  }
0x60: {  	_ =	shalt  }
0x61: {  	_ =	shalt  }
0x62: {  	_ =	shalt  }
0x63: {  	_ =	shalt  }
0x64: {  	_ =	shalt  }
0x65: {  	_ =	shalt  }
0x66: {  	_ =	shalt  }
0x67: {  	_ =	shalt  }
0x68: {  	_ =	shalt  }
0x69: {  	_ =	shalt  }
0x6a: {  	_ =	shalt  }
0x6b: {  	_ =	shalt  }
0x6c: {  	_ =	shalt  }
0x6d: {  	_ =	shalt  }
0x6e: {  	_ =	shalt  }
0x6f: {  	_ =	shalt  }
0x70: {  	_ =	shalt  }
0x71: {  	_ =	shalt  }
0x72: {  	_ =	shalt  }
0x73: {  	_ =	shalt  }
0x74: {  	_ =	shalt  }
0x75: {  	_ =	shalt  }
0x76: {  	_ =	shalt  }
0x77: {  	_ =	shalt  }
0x78: {  	_ =	shalt  }
0x79: {  	_ =	shalt  }
0x7a: {  	_ =	shalt  }
0x7b: {  	_ =	shalt  }
0x7c: {  	_ =	shalt  }
0x7d: {  	_ =	shalt  }
0x7e: {  	_ =	shalt  }
0x7f: {  	_ =	shalt  }
0x80: {  	_ =	shalt  }
0x81: {  	_ =	shalt  }
0x82: {  	_ =	shalt  }
0x83: {  	_ =	shalt  }
0x84: {  	_ =	shalt  }
0x85: {  	_ =	shalt  }
0x86: {  	_ =	shalt  }
0x87: {  	_ =	shalt  }
.Lfunc_end0:
.L_simem_size_0:
called_computation_lowered:
.L_overlay_start_0:
0x88: {  	s2 =	sld [smem:$0x3FD9]  }
0x89: {  	s3 =	sld [smem:$0x3FFE];
	_ =	sdelay $0x1  }
0x8a: {  	s1 =	srdreg.scid  }
0x8b: {  	s0 =	sand.u32 $0x1, s1  }
0x8c: {  	s17 =	sshll.u32 s0, $0xA;
	s2 =	sadd.s32 s3, s2  }
0x8d: {  	s2 =	sadd.s32 s2, s17  }
0x8e: {  	[smem:$0x3FC6] =	sst s2  }
0x8f: {  	_ = 	snop  }
0x90: {  	s2 =	sld [smem:$0x3FD0];
	(tm) =	ssettm $0x1  }
0x91: {  	s18 =	sld [smem:$0x3FFB];
	_ =	sdelay $0x3  }
0x92: {  	_ =	strace s18  }
0x93: {  	s3 =	sld [smem:$0x3FFC];
	_ =	sdelay $0x3  }
0x94: {  	_ =	strace s3  }
0x95: {  	s3 =	sld [smem:$0x3FFD];
	_ =	sdelay $0x3  }
0x96: {  	_ =	strace s3  }
0x97: {  	_ =	strace $0x8FFFFFFF  }
0x98: {  	s19 =	sld [smem:$0x3FDB];
	_ =	sdelay $0x1  }
0x99: {  	s4 =	simm.s32 $_scs_section_size  }
0x9a: {  	s5 =	simm.s32 $_size__tile_overlayer_lowered;
	s6 =	simm.s32 $_tile_overlayer_lowered  }
0x9b: {  	s22 =	simm.s32 $0x1BFF;
	s21 =	sshll.u32 s6, $0x1;
	s3 =	sadd.s32 s4, s19  }
0x9c: {  	s7 =	simm.s32 $0x0;
	s20 =	sshll.u32 s5, $0x1;
	s5 =	sadd.s32 s21, s3  }
0x9d: {  	[timem:s7], [sflag:s22] =	dma.local [hbm:s5], s20  }
0x9e: {  	_ =	swait.ge [sflag:s22], s20  }
0x9f: {  	s4 =	ssub.s32 $0x0, s20;
	[sflag:s22] =	ssyncset.done $0x0  }
0xa0: {  	[sflag:s22] =	ssyncadd.s32 s4;
	_ =	sdelay $0x1  }
0xa1: {  	s23 =	simm.s32 $0x1B8B  }
0xa2: {  	_ =	swait.ge [sflag:s23], $0x1  }
0xa3: {  	[sflag:s23] =	ssyncset.done $0x0  }
0xa4: {  	s25 =	simm.s32 $0x1B8E;
	s24 =	sld [smem:$0x3FFE];
	[sflag:s23] =	ssyncadd.s32 $0xFFFFFFFF  }
0xa5: {  	s26 =	simm.s32 $execute0_lowered;
	[smem:$0x3FD2] =	sst s25  }
0xa6: {  	s5 =	sshll.u32 s26, $0x1;
	_ =	strace $0x80000046;
	[dreg:$0x1] =	wrdreg $0xFFFFFFFF  }
0xa7: {  	s28 =	simm.s32 $_size_execute0_lowered;
	s3 =	sadd.s32 s3, s5;
	[dreg:$0x0] =	wrdreg $0x0  }
0xa8: {  	s5 =	sshll.u32 s28, $0x1;
	[dreg:$0x2] =	wrdreg s3  }
0xa9: {  	[dreg:$0x3] =	wrdreg s5  }
0xaa: {  	[dreg:$0x4] =	wrdreg $0xC0  }
0xab: {  	_ =	task [dreg:s7], $0x5FFFF  }
0xac: {  	[dreg:$0x1] =	wrdreg $0xFFFFFFFF  }
0xad: {  	[dreg:$0x0] =	wrdreg $0x60  }
0xae: {  	[dreg:$0x2] =	wrdreg s2  }
0xaf: {  	[dreg:$0x3] =	wrdreg s24  }
0xb0: {  	[dreg:$0x4] =	wrdreg $0xDE000  }
0xb1: {  	[dreg:$0x5] =	wrdreg $0x9  }
0xb2: {  	_ =	task.clear_ibuf [dreg:s7], $0x6FFFF;
	_ =	strace $0x90000046  }
0xb3: {  	s29 =	simm.s32 $0x9;
	_ =	strace $0x80000048  }
0xb4: {  	_ =	swait.ge [sflag:s29], $0x1  }
0xb5: {  	[sflag:s29] =	ssyncadd.s32 $0xFFFFFFFF  }
0xb6: {  	_ =	strace $0x90000048  }
0xb7: {  	_ =	sfence  }
0xb8: {  	s30 =	sld [smem:$0x0];
	_ =	sdelay $0x2  }
0xb9: {  	s31 =	sshll.u32 s1, $0xD;
	s1 =	sshrl.u32 s1, $0x2  }
0xba: {  	s3 =	sand.u32 $0x4000, s31;
	s1 =	sadd.s32 s1, s30  }
0xbb: {  	s0 =	sor.u32 s3, s0;
	s1 =	sshll.u32 s1, $0x11  }
0xbc: {  	s0 =	sor.u32 s1, s0  }
0xbd: {  	s0 =	sadd.s32 $0x8F2B, s0  }
0xbe: {  	[sflag:s0] =	ssyncadd.remote.s32 $0x1  }
0xbf: {  	_ =	sfence.sel $0xFFFF  }
0xc0: {  	[dreg:$0x0] =	wrdreg $0xFFFFFFFF;
	(pc) =	sbr.abs _section_cstart, $3  }
0xc1: {  	[dreg:$0x1] =	wrdreg $0xFFFFFFFF  }
0xc2: {  	_ =	task.clear_ibuf [dreg:s7], $0x2FFFF;
	_ =	strace $0x9FFFFFFF  }
0xc3: {  	(tm) =	ssettm $0x7FFFFFFF  }
tec
execute0_lowered:
.L_overlay_start_1:
0x0: {  	(tag) =	ssettag $0x1  }
0x1: {  	s2 =	rddreg [dreg:$0x0]  }
0x2: {  	s5 =	rddreg [dreg:$0x1]  }
0x3: {  	s3 =	rddreg [dreg:$0x2];
	s0 =	stileid.u32  }
0x4: {  	s7 =	srdreg.scid;
	s4 =	simm.s32 $0x0;
	s20 =	simm.s32 $0x9E00  }
0x5: {  	s21 =	simm.s32 $0x80;
	s22 =	simm.s32 $0xBE00;
	s23 =	simm.s32 $0x1  }
0x6: {  	s24 =	simm.s32 $0x2;
	s28 =	simm.s32 $0x9D80;
	s6 =	smul.u32 $0x4F00, s0  }
0x7: {  	s29 =	simm.s32 $0x0;
	s8 =	sand.u32 $0x1, s7;
	s12 =	smul.u32 $0xA000, s0  }
0x8: {  	[smem:$0x7FF] =	sst s4;
	s16 =	sadd.s32 $0x1DA00, s5;
	s9 =	smul.u32 $0x4F000, s8  }
0x9: {  	_ =	strace $0x80000047;
	s10 =	ssub.s32 $0x2, s8;
	s15 =	smul.u32 $0xA0000, s8  }
0xa: {  	s25 =	sshrl.u32 s6, $0x3;
	s11 =	sshrl.u32 s10, $0x1;
	s26 =	sadd.s32 $0x2000, s12  }
0xb: {  	s14 =	sadd.s32 $0x4000, s12;
	s18 =	sadd.s32 $0x6000, s12;
	s19 =	sadd.s32 $0x8000, s12  }
0xc: {  	s7 =	sadd.s32 s25, s5;
	s6 =	sadd.s32 s6, s9;
	s17 =	ssub.s32 s10, s11  }
0xd: {  	s8 =	sadd.s32 s26, s3;
	s9 =	sadd.s32 s14, s3;
	s10 =	sadd.s32 s18, s3  }
0xe: {  	s13 =	sadd.s32 s12, s15;
	s11 =	sadd.s32 s15, s26;
	s14 =	sadd.s32 s15, s14  }
0xf: {  	s18 =	sadd.s32 s15, s18;
	s15 =	sadd.s32 s15, s19;
	s25 =	simm.s32 $0x4E80  }
0x10: {  	s26 =	simm.s32 $0x9D00;
	s6 =	sshrl.u32 s6, $0x3;
	s30 =	sshrl.u32 s13, $0x3  }
0x11: {  	s31 =	sshrl.u32 s11, $0x3;
	s11 =	sadd.s32 s19, s3;
	s14 =	sshrl.u32 s14, $0x3  }
0x12: {  	s18 =	sshrl.u32 s18, $0x3;
	s19 =	sshrl.u32 s15, $0x3;
	s17 =	smax.u32 s17, $0x1  }
0x13: {  	s5 =	sadd.s32 s5, s6;
	s6 =	sadd.s32 $0x13C00, s7;
	s7 =	sadd.s32 s12, s3  }
0x14: {  	s12 =	sadd.s32 s16, s30;
	s13 =	sadd.s32 s16, s31;
	s14 =	sadd.s32 s16, s14  }
0x15: {  	v0 =	vimm.f32 $0.0e+00;
	s15 =	sadd.s32 s16, s18;
	s16 =	sadd.s32 s16, s19;
	s18 =	simm.s32 $0x3  }
.LBB2_1:
0x16: {  	[tilespmem:s4], [sflag:$0x3] =	stream.linear.gather [hbm4b:s5+s4], $0x4F00, $0x38;
	[tilespmem:$0x17E00] =	vst v63  }
0x17: {  	_ =	swait.ge [sflag:s18], $0x4F00  }
0x18: {  	[sflag:s18] =	ssyncset.done $0x0  }
0x19: {  	s0 =	simm.s32 $0x4F00;
	[sflag:s18] =	ssyncadd.s32 $0xFFFFB100  }
0x1a: {  	[tilespmem:s0], [sflag:$0x3] =	stream.linear.gather [hbm4b:s6+s4], $0x4F00, $0x38;
	[tilespmem:$0x17E00] =	vst v63  }
0x1b: {  	_ =	swait.ge [sflag:s18], $0x4F00  }
0x1c: {  	[sflag:s18] =	ssyncset.done $0x0  }
0x1d: {  	s31 =	simm.s32 $0x100;
	s30 =	simm.s32 $0x0;
	[sflag:s18] =	ssyncadd.s32 $0xFFFFB100  }
.LBB2_2:
0x1e: {  	p0 =	sne.s32 s31, $0x7F00;
	[tilespmem:s30+$0x9E30] =	vst v0;
	s1 =	smov.u32 s31;
	s31 =	sadd.s32 $0x100, s31  }
.Ltmp0:
0x1f: {  	[tilespmem:s30+$0x9E20] =	vst v0;
	(pc) =	sbr.rel @p0 .LBB2_2-.Ltmp0, $3  }
0x20: {  	[tilespmem:s30+$0x9E00] =	vst v0  }
0x21: {  	[tilespmem:s30+$0x9E10] =	vst v0;
	_ =	sdelay $0x1  }
0x22: {  	s30 =	sshra.s32 s1, $0x2  }
0x23: {  	[tilespmem:s30+$0x9E30] =	vst v0  }
0x24: {  	[tilespmem:s30+$0x9E20] =	vst v0  }
0x25: {  	[tilespmem:s30+$0x9E00] =	vst v0  }
0x26: {  	[tilespmem:s30+$0x9E10] =	vst v0  }
0x27: {  	[spmem:s7] =	stream.linear.scatter [tilespmem:s20], [sflag:$0x3], $0x2000, $0x38;
	[tilespmem:$0x17E00] =	vst v63  }
0x28: {  	_ =	swait.ge [sflag:s18], $0x2000  }
0x29: {  	[sflag:s18] =	ssyncset.done $0x0  }
0x2a: {  	[sflag:s18] =	ssyncadd.s32 $0xFFFFE000  }
0x2b: {  	[spmem:s8] =	stream.linear.scatter [tilespmem:s20], [sflag:$0x3], $0x2000, $0x38;
	[tilespmem:$0x17E00] =	vst v63  }
0x2c: {  	_ =	swait.ge [sflag:s18], $0x2000  }
0x2d: {  	[sflag:s18] =	ssyncset.done $0x0  }
0x2e: {  	[sflag:s18] =	ssyncadd.s32 $0xFFFFE000  }
0x2f: {  	[spmem:s9] =	stream.linear.scatter [tilespmem:s20], [sflag:$0x3], $0x2000, $0x38;
	[tilespmem:$0x17E00] =	vst v63  }
0x30: {  	_ =	swait.ge [sflag:s18], $0x2000  }
0x31: {  	[sflag:s18] =	ssyncset.done $0x0  }
0x32: {  	[sflag:s18] =	ssyncadd.s32 $0xFFFFE000  }
0x33: {  	[spmem:s10] =	stream.linear.scatter [tilespmem:s20], [sflag:$0x3], $0x2000, $0x38;
	[tilespmem:$0x17E00] =	vst v63  }
0x34: {  	_ =	swait.ge [sflag:s18], $0x2000  }
0x35: {  	[sflag:s18] =	ssyncset.done $0x0  }
0x36: {  	[sflag:s18] =	ssyncadd.s32 $0xFFFFE000  }
0x37: {  	[spmem:s11] =	stream.linear.scatter [tilespmem:s20], [sflag:$0x3], $0x2000, $0x38;
	[tilespmem:$0x17E00] =	vst v63  }
0x38: {  	_ =	swait.ge [sflag:s18], $0x2000  }
0x39: {  	[sflag:s18] =	ssyncset.done $0x0  }
0x3a: {  	[sflag:s18] =	ssyncadd.s32 $0xFFFFE000  }
0x3b: {  	s1 =	simm.s32 $0x0;
	[bflag:$0x0] =	sbarrier.arrive $0xFFFF  }
0x3c: {  	[tilespmem:s20], [sflag:$0x1] =	stream.indirect.gather [hbm4b:s2+s21], $0x40, s1, s21, $0xb8;
	[tilespmem:$0x17E00] =	vst v63  }
0x3d: {  	s0 =	simm.s32 $0x80  }
0x3e: {  	[tilespmem:s22], [sflag:$0x2] =	stream.indirect.gather [hbm4b:s2+s21], $0x40, s0, s21, $0xb8;
	[tilespmem:$0x17E00] =	vst v63  }
0x3f: {  	_ =	swait.ge [sflag:s23], $0x2000  }
0x40: {  	[sflag:s23] =	ssyncset.done $0x0  }
0x41: {  	s19 =	simm.s32 $0x4F00;
	[sflag:s23] =	ssyncadd.s32 $0xFFFFE000  }
0x42: {  	[spmem:s3] =	stream.indirect.scatter.add.f32 [tilespmem:s20], [sflag:$0x3], $0x40, s19, s21, $0xb8;
	[tilespmem:$0x17E00] =	vst v63  }
0x43: {  	_ =	swait.ge [sflag:s18], $0x2000  }
0x44: {  	[sflag:s18] =	ssyncset.done $0x0  }
0x45: {  	s0 =	simm.s32 $0x100;
	[sflag:s18] =	ssyncadd.s32 $0xFFFFE000  }
0x46: {  	[tilespmem:s20], [sflag:$0x1] =	stream.indirect.gather [hbm4b:s2+s21], $0x40, s0, s21, $0xb8;
	[tilespmem:$0x17E00] =	vst v63  }
0x47: {  	_ =	swait.ge [sflag:s24], $0x2000  }
0x48: {  	[sflag:s24] =	ssyncset.done $0x0  }
0x49: {  	s19 =	simm.s32 $0x4F80;
	[sflag:s24] =	ssyncadd.s32 $0xFFFFE000  }
0x4a: {  	[spmem:s3] =	stream.indirect.scatter.add.f32 [tilespmem:s22], [sflag:$0x3], $0x40, s19, s21, $0xb8;
	[tilespmem:$0x17E00] =	vst v63  }
0x4b: {  	_ =	swait.ge [sflag:s18], $0x2000  }
0x4c: {  	s31 =	simm.s32 $0x800;
	s30 =	simm.s32 $0x100;
	[sflag:s18] =	ssyncset.done $0x0  }
.LBB2_4:
0x4d: {  	s1 =	sadd.s32 $0x80, s30  }
0x4e: {  	[sflag:s18] =	ssyncadd.s32 $0xFFFFE000;
	s0 =	smov.u32 s31;
	s19 =	sadd.s32 $0x400, s31  }
0x4f: {  	[tilespmem:s22], [sflag:$0x2] =	stream.indirect.gather [hbm4b:s2+s21], $0x40, s1, s21, $0xb8;
	[tilespmem:$0x17E00] =	vst v63  }
0x50: {  	p0 =	sne.s32 s31, $0x13400;
	_ =	swait.ge [sflag:s23], $0x2000  }
0x51: {  	[sflag:s23] =	ssyncset.done $0x0  }
0x52: {  	s1 =	sadd.s32 $0x4F00, s30;
	[sflag:s23] =	ssyncadd.s32 $0xFFFFE000  }
0x53: {  	[spmem:s3] =	stream.indirect.scatter.add.f32 [tilespmem:s20], [sflag:$0x3], $0x40, s1, s21, $0xb8;
	[tilespmem:$0x17E00] =	vst v63  }
0x54: {  	_ =	swait.ge [sflag:s18], $0x2000  }
0x55: {  	[sflag:s18] =	ssyncset.done $0x0  }
0x56: {  	s1 =	sadd.s32 $0x100, s30;
	[sflag:s18] =	ssyncadd.s32 $0xFFFFE000  }
0x57: {  	[tilespmem:s20], [sflag:$0x1] =	stream.indirect.gather [hbm4b:s2+s21], $0x40, s1, s21, $0xb8;
	[tilespmem:$0x17E00] =	vst v63  }
0x58: {  	_ =	swait.ge [sflag:s24], $0x2000  }
.Ltmp1:
0x59: {  	[sflag:s24] =	ssyncset.done $0x0;
	(pc) =	sbr.rel @p0 .LBB2_4-.Ltmp1, $4  }
0x5a: {  	s1 =	sadd.s32 $0x4F80, s30;
	[sflag:s24] =	ssyncadd.s32 $0xFFFFE000  }
0x5b: {  	[spmem:s3] =	stream.indirect.scatter.add.f32 [tilespmem:s22], [sflag:$0x3], $0x40, s1, s21, $0xb8;
	[tilespmem:$0x17E00] =	vst v63  }
0x5c: {  	_ =	swait.ge [sflag:s18], $0x2000  }
0x5d: {  	s31 =	smov.u32 s19;
	s30 =	sshra.s32 s0, $0x2;
	[sflag:s18] =	ssyncset.done $0x0  }
0x5e: {  	s0 =	sadd.s32 $0x80, s30;
	[sflag:s18] =	ssyncadd.s32 $0xFFFFE000  }
0x5f: {  	[tilespmem:s22], [sflag:$0x2] =	stream.indirect.gather [hbm4b:s2+s21], $0x40, s0, s21, $0xb8;
	[tilespmem:$0x17E00] =	vst v63  }
0x60: {  	_ =	swait.ge [sflag:s23], $0x2000  }
0x61: {  	[sflag:s23] =	ssyncset.done $0x0  }
0x62: {  	s1 =	sadd.s32 $0x4F00, s30;
	[sflag:s23] =	ssyncadd.s32 $0xFFFFE000  }
0x63: {  	[spmem:s3] =	stream.indirect.scatter.add.f32 [tilespmem:s20], [sflag:$0x3], $0x40, s1, s21, $0xb8;
	[tilespmem:$0x17E00] =	vst v63  }
0x64: {  	_ =	swait.ge [sflag:s18], $0x2000  }
0x65: {  	[sflag:s18] =	ssyncset.done $0x0  }
0x66: {  	s19 =	sadd.s32 $0x100, s30;
	[sflag:s18] =	ssyncadd.s32 $0xFFFFE000  }
0x67: {  	[tilespmem:s20], [sflag:$0x1] =	stream.indirect.gather [hbm4b:s2+s21], $0x40, s19, s21, $0xb8;
	[tilespmem:$0x17E00] =	vst v63  }
0x68: {  	_ =	swait.ge [sflag:s24], $0x2000  }
0x69: {  	[sflag:s24] =	ssyncset.done $0x0  }
0x6a: {  	s31 =	sadd.s32 $0x4F80, s30;
	[sflag:s24] =	ssyncadd.s32 $0xFFFFE000  }
0x6b: {  	[spmem:s3] =	stream.indirect.scatter.add.f32 [tilespmem:s22], [sflag:$0x3], $0x40, s31, s21, $0xb8;
	[tilespmem:$0x17E00] =	vst v63  }
0x6c: {  	_ =	swait.ge [sflag:s18], $0x2000  }
0x6d: {  	[sflag:s18] =	ssyncset.done $0x0  }
0x6e: {  	[sflag:s18] =	ssyncadd.s32 $0xFFFFE000  }
0x6f: {  	[tilespmem:s22], [sflag:$0x2] =	stream.indirect.gather [hbm4b:s2+s21], $0x40, s25, s21, $0xb8;
	[tilespmem:$0x17E00] =	vst v63  }
0x70: {  	_ =	swait.ge [sflag:s23], $0x2000  }
0x71: {  	[sflag:s23] =	ssyncset.done $0x0  }
0x72: {  	[sflag:s23] =	ssyncadd.s32 $0xFFFFE000  }
0x73: {  	[spmem:s3] =	stream.indirect.scatter.add.f32 [tilespmem:s20], [sflag:$0x3], $0x40, s26, s21, $0xb8;
	[tilespmem:$0x17E00] =	vst v63  }
0x74: {  	_ =	swait.ge [sflag:s18], $0x2000  }
0x75: {  	[sflag:s18] =	ssyncset.done $0x0  }
0x76: {  	[sflag:s18] =	ssyncadd.s32 $0xFFFFE000  }
0x77: {  	_ =	swait.ge [sflag:s24], $0x2000  }
0x78: {  	[sflag:s24] =	ssyncset.done $0x0  }
0x79: {  	[sflag:s24] =	ssyncadd.s32 $0xFFFFE000  }
0x7a: {  	[spmem:s3] =	stream.indirect.scatter.add.f32 [tilespmem:s22], [sflag:$0x3], $0x40, s28, s21, $0xb8;
	[tilespmem:$0x17E00] =	vst v63  }
0x7b: {  	_ =	swait.ge [sflag:s18], $0x2000  }
0x7c: {  	[sflag:s18] =	ssyncset.done $0x0  }
0x7d: {  	[sflag:s18] =	ssyncadd.s32 $0xFFFFE000  }
0x7e: {  	[bflag:$0x0] =	sbarrier.arrive $0xFFFF  }
0x7f: {  	[tilespmem:s20], [sflag:$0x3] =	stream.linear.gather [spmem:s7], $0x2000, $0x38;
	[tilespmem:$0x17E00] =	vst v63  }
0x80: {  	_ =	swait.ge [sflag:s18], $0x2000  }
0x81: {  	[sflag:s18] =	ssyncset.done $0x0  }
0x82: {  	[sflag:s18] =	ssyncadd.s32 $0xFFFFE000  }
0x83: {  	[hbm4b:s12+s4] =	stream.linear.scatter [tilespmem:s20], [sflag:$0x3], $0x2000, $0x38;
	[tilespmem:$0x17E00] =	vst v63  }
0x84: {  	_ =	swait.ge [sflag:s18], $0x2000  }
0x85: {  	[sflag:s18] =	ssyncset.done $0x0  }
0x86: {  	[sflag:s18] =	ssyncadd.s32 $0xFFFFE000  }
0x87: {  	[tilespmem:s20], [sflag:$0x3] =	stream.linear.gather [spmem:s8], $0x2000, $0x38;
	[tilespmem:$0x17E00] =	vst v63  }
0x88: {  	_ =	swait.ge [sflag:s18], $0x2000  }
0x89: {  	[sflag:s18] =	ssyncset.done $0x0  }
0x8a: {  	[sflag:s18] =	ssyncadd.s32 $0xFFFFE000  }
0x8b: {  	[hbm4b:s13+s4] =	stream.linear.scatter [tilespmem:s20], [sflag:$0x3], $0x2000, $0x38;
	[tilespmem:$0x17E00] =	vst v63  }
0x8c: {  	_ =	swait.ge [sflag:s18], $0x2000  }
0x8d: {  	[sflag:s18] =	ssyncset.done $0x0  }
0x8e: {  	[sflag:s18] =	ssyncadd.s32 $0xFFFFE000  }
0x8f: {  	[tilespmem:s20], [sflag:$0x3] =	stream.linear.gather [spmem:s9], $0x2000, $0x38;
	[tilespmem:$0x17E00] =	vst v63  }
0x90: {  	_ =	swait.ge [sflag:s18], $0x2000  }
0x91: {  	[sflag:s18] =	ssyncset.done $0x0  }
0x92: {  	[sflag:s18] =	ssyncadd.s32 $0xFFFFE000  }
0x93: {  	[hbm4b:s14+s4] =	stream.linear.scatter [tilespmem:s20], [sflag:$0x3], $0x2000, $0x38;
	[tilespmem:$0x17E00] =	vst v63  }
0x94: {  	_ =	swait.ge [sflag:s18], $0x2000  }
0x95: {  	[sflag:s18] =	ssyncset.done $0x0  }
0x96: {  	[sflag:s18] =	ssyncadd.s32 $0xFFFFE000  }
0x97: {  	[tilespmem:s20], [sflag:$0x3] =	stream.linear.gather [spmem:s10], $0x2000, $0x38;
	[tilespmem:$0x17E00] =	vst v63  }
0x98: {  	_ =	swait.ge [sflag:s18], $0x2000  }
0x99: {  	[sflag:s18] =	ssyncset.done $0x0  }
0x9a: {  	[sflag:s18] =	ssyncadd.s32 $0xFFFFE000  }
0x9b: {  	[hbm4b:s15+s4] =	stream.linear.scatter [tilespmem:s20], [sflag:$0x3], $0x2000, $0x38;
	[tilespmem:$0x17E00] =	vst v63  }
0x9c: {  	_ =	swait.ge [sflag:s18], $0x2000  }
0x9d: {  	[sflag:s18] =	ssyncset.done $0x0  }
0x9e: {  	[sflag:s18] =	ssyncadd.s32 $0xFFFFE000  }
0x9f: {  	[tilespmem:s20], [sflag:$0x3] =	stream.linear.gather [spmem:s11], $0x2000, $0x38;
	[tilespmem:$0x17E00] =	vst v63  }
0xa0: {  	s29 =	sadd.s32 $0x1, s29;
	_ =	swait.ge [sflag:s18], $0x2000  }
0xa1: {  	p0 =	sne.s32 s29, s17;
	[sflag:s18] =	ssyncset.done $0x0  }
.Ltmp2:
0xa2: {  	[sflag:s18] =	ssyncadd.s32 $0xFFFFE000;
	(pc) =	sbr.rel @p0 .LBB2_1-.Ltmp2, $4  }
0xa3: {  	[hbm4b:s16+s4] =	stream.linear.scatter [tilespmem:s20], [sflag:$0x3], $0x2000, $0x38;
	[tilespmem:$0x17E00] =	vst v63  }
0xa4: {  	_ =	swait.ge [sflag:s18], $0x2000  }
0xa5: {  	[sflag:s18] =	ssyncset.done $0x0  }
0xa6: {  	[sflag:s18] =	ssyncadd.s32 $0xFFFFE000  }
0xa7: {  	_ =	sfence.sel $0x180000  }
0xa8: {  	[bflag:$0x0] =	sbarrier.arrive $0xFFFF  }
0xa9: {  	_ =	strace $0x90000047  }
0xaa: {  	s0 =	stileid.u32;
	[bflag:$0x2] =	sbarrier.arrive $0xFFFF  }
0xab: {  	p0 =	sne.s32 s0, $0x0;
	s0 =	rddreg [dreg:$0x3]  }
0xac: {  	s0 =	sadd.s32 @!p0 $0x100000, s0  }
0xad: {  	[sflag:s0] =	ssyncadd.tile.s32 @!p0 $0x1;
	_ =	shalt  }
.Lfunc_end2:
_tile_overlayer_lowered:
.L_overlay_start_2:
0xae: {  	(tag) =	ssettag $0x2  }
0xaf: {  	s0 =	rddreg [dreg:$0x0];
	s2 =	stileid.u32  }
0xb0: {  	s1 =	rddreg [dreg:$0x1];
	p0 =	sne.s32 s2, $0x0  }
0xb1: {  	s3 =	rddreg [dreg:$0x2];
	[bflag:$0x3] =	sbarrier.arrive $0xFFFF;
	s2 =	simm.s32 @!p0 $0x1C03  }
0xb2: {  	[timem:s3], [sflag:s2] =	dma.local @!p0 [hbm:s0], s1  }
0xb3: {  	s0 =	simm.s32 @!p0 $0x3  }
0xb4: {  	_ =	swait.ge @!p0 [sflag:s0], s1  }
0xb5: {  	s1 =	ssub.s32 @!p0 $0x0, s1;
	[sflag:s0] =	ssyncset.done @!p0 $0x0  }
0xb6: {  	[sflag:s0] =	ssyncadd.s32 @!p0 s1  }
0xb7: {  	[bflag:$0x3] =	sbarrier.arrive $0xFFFF  }
0xb8: {  	_ =	shalt  }

</sc_bundles>
